<compile_context>
chip_gen: v7x
topology: tpu7x:2x2x1
jax: 0.10.2.dev20260603
libtpu: 0.0.44.dev20260713+nightly
codegen_flags: <defaults>
</compile_context>

<pallas_src>
import functools

import jax
import jax.numpy as jnp
from jax import lax
from jax.experimental import pallas as pl
from jax.experimental.pallas import tpu as pltpu
from jax.experimental.pallas import tpu_sc as plsc

NC = 2
NS = 16
L = 16
NW = NC * NS

B = 4
R = 2048
COLS = 2048
ROWS = B * R
RPT = ROWS // NW
RCHUNK = 8
NCHUNK = RPT // RCHUNK

_mesh = plsc.VectorSubcoreMesh(core_axis_name="c", subcore_axis_name="s")


@functools.partial(
    pl.kernel,
    out_type=jax.ShapeDtypeStruct((B, R, COLS), jnp.float32),
    mesh=_mesh,
    scratch_types=[
        pltpu.VMEM((COLS,), jnp.int32),
        pltpu.VMEM((RCHUNK, COLS), jnp.float32),
        pltpu.VMEM((RCHUNK, COLS), jnp.float32),
        pltpu.VMEM((RCHUNK, COLS), jnp.float32),
        pltpu.VMEM((RCHUNK, COLS), jnp.float32),
        pltpu.VMEM((RCHUNK, COLS), jnp.float32),
        pltpu.VMEM((RCHUNK, COLS), jnp.float32),
        pltpu.SemaphoreType.DMA,
        pltpu.SemaphoreType.DMA,
        pltpu.SemaphoreType.DMA,
        pltpu.SemaphoreType.DMA,
        pltpu.SemaphoreType.DMA,
        pltpu.SemaphoreType.DMA,
        pltpu.SemaphoreType.DMA,
    ],
    compiler_params=pltpu.CompilerParams(needs_layout_passes=False),
)
def _permute_rows(x_hbm, p_hbm, out_hbm, p_v, in0, in1, in2,
                  out0, out1, out2, si0, si1, si2, so0, so1, so2, sp):
    wid = lax.axis_index("s") * NC + lax.axis_index("c")
    row_base = wid * RPT
    bi = row_base // R
    r_base = row_base % R

    def in_copy(buf, sem, r0):
        return pltpu.make_async_copy(
            x_hbm.at[bi, pl.ds(r0, RCHUNK), :], buf, sem)

    def out_copy(buf, sem, r0):
        return pltpu.make_async_copy(
            buf, out_hbm.at[bi, pl.ds(r0, RCHUNK), :], sem)

    in_copy(in0, si0, r_base).start()
    in_copy(in1, si1, r_base + RCHUNK).start()
    in_copy(in2, si2, r_base + 2 * RCHUNK).start()
    pltpu.async_copy(p_hbm, p_v, sp).wait()

    def gather_chunk(inb, outb):
        @plsc.parallel_loop(0, COLS // L, step=1, unroll=8)
        def col_body(j):
            idx = p_v[pl.ds(j * L, L)]
            for r in range(RCHUNK):
                rvec = jnp.full((L,), r, jnp.int32)
                outb[r, pl.ds(j * L, L)] = plsc.load_gather(
                    inb, [rvec, idx])

    bufs = ((in0, si0, out0, so0), (in1, si1, out1, so1),
            (in2, si2, out2, so2))
    NBUF = len(bufs)
    NITER = (NCHUNK + NBUF - 1) // NBUF

    def outer(g, carry):
        for b, (inb, sib, outb, sob) in enumerate(bufs):
            ci = NBUF * g + b
            r0 = r_base + ci * RCHUNK

            @pl.when(ci < NCHUNK)
            def _slot():
                in_copy(inb, sib, r0).wait()

                @pl.when(ci >= NBUF)
                def _wait_prev_out():
                    out_copy(outb, sob, r0 - NBUF * RCHUNK).wait()

                gather_chunk(inb, outb)
                out_copy(outb, sob, r0).start()

                @pl.when(ci + NBUF < NCHUNK)
                def _start_next_in():
                    in_copy(inb, sib, r0 + NBUF * RCHUNK).start()
        return carry

    lax.fori_loop(0, NITER, outer, 0)

    for b, (inb, sib, outb, sob) in enumerate(bufs):
        last_ci = ((NCHUNK - 1 - b) // NBUF) * NBUF + b
        out_copy(outb, sob, r_base + last_ci * RCHUNK).wait()


def kernel(x, p):
    out = _permute_rows(x, p)
    return (out, 0)

# --- scband reference (transcript-rebuilt; emitter-appended) ---
"""Pipeline reference for scband-permutation-14688788152918 (READ-ONLY COPY).

The authoritative reference and input builder live on the scoring server;
editing this copy changes nothing except your own understanding.
"""

import jax, jax.numpy as jnp
import numpy as np


def setup_inputs(seed: int = 0) -> dict:
    key = jax.random.key(seed)
    kx, kp = jax.random.split(key)
    x = jax.random.normal(kx, (4, 2048, 2048), dtype=jnp.float32)
    # buffer p = torch.randperm(in_dim[1]); invp = argsort(p) (unused in forward)
    p = jax.random.permutation(kp, jnp.arange(2048, dtype=jnp.int32))
    return {"x": x, "p": p}


def reference(x, p):
    # dim is forced to 'width' in __init__, so forward permutes the last axis:
    # return (x[:, :, self.p], 0)
    out = jnp.take(x, p, axis=2)
    return (out, 0)

if __name__ == "__main__":
    import jax
    _d = setup_inputs()
    print(jax.jit(kernel)(*tuple(_d.values())))

</pallas_src>

<mosaic_0001>
#map = affine_map<(d0, d1) -> (0, 0, 0)>
#map1 = affine_map<(d0, d1) -> (0)>
module attributes {stable_mosaic.version = 14 : i64} {
  func.func @_permute_rows(%arg0: i32, %arg1: i32, %arg2: memref<4x2048x2048xf32, #tpu.memory_space<hbm>>, %arg3: memref<2048xi32, #tpu.memory_space<hbm>>, %arg4: memref<4x2048x2048xf32, #tpu.memory_space<hbm>>, %arg5: memref<2048xi32, #tpu.memory_space<vmem>>, %arg6: memref<8x2048xf32, #tpu.memory_space<vmem>>, %arg7: memref<8x2048xf32, #tpu.memory_space<vmem>>, %arg8: memref<8x2048xf32, #tpu.memory_space<vmem>>, %arg9: memref<8x2048xf32, #tpu.memory_space<vmem>>, %arg10: memref<8x2048xf32, #tpu.memory_space<vmem>>, %arg11: memref<8x2048xf32, #tpu.memory_space<vmem>>, %arg12: memref<!tpu.dma_semaphore, #tpu.memory_space<semaphore_mem>>, %arg13: memref<!tpu.dma_semaphore, #tpu.memory_space<semaphore_mem>>, %arg14: memref<!tpu.dma_semaphore, #tpu.memory_space<semaphore_mem>>, %arg15: memref<!tpu.dma_semaphore, #tpu.memory_space<semaphore_mem>>, %arg16: memref<!tpu.dma_semaphore, #tpu.memory_space<semaphore_mem>>, %arg17: memref<!tpu.dma_semaphore, #tpu.memory_space<semaphore_mem>>, %arg18: memref<!tpu.dma_semaphore, #tpu.memory_space<semaphore_mem>>) attributes {dimension_semantics = [#tpu.dimension_semantics<core_parallel>, #tpu.dimension_semantics<subcore_parallel>], iteration_bounds = array<i64: 2, 16>, scalar_prefetch = 0 : i64, scratch_operands = 14 : i64, tpu.core_type = #tpu.core_type<sc_vector_subcore>, window_params = [{transform_indices = #map}, {transform_indices = #map1}, {transform_indices = #map}]} {
    %mul3A = arith.constant 2 : i32
    %mul3A_0 = arith.muli %arg1, %mul3A : i32
    %add3A = arith.addi %mul3A_0, %arg0 : i32
    %mul3A_1 = arith.constant 256 : i32
    %mul3A_2 = arith.muli %add3A, %mul3A_1 : i32
    %jit3A = arith.constant 2048 : i32
    %div3A = arith.divsi %mul3A_2, %jit3A : i32
    %sign3A = arith.constant 0 : i32
    %sign3A_3 = arith.cmpi sgt, %mul3A_2, %sign3A : i32
    %sign3A_4 = arith.extui %sign3A_3 : i1 to i32
    %sign3A_5 = arith.constant 0 : i32
    %sign3A_6 = arith.cmpi slt, %mul3A_2, %sign3A_5 : i32
    %sign3A_7 = arith.extui %sign3A_6 : i1 to i32
    %sign3A_8 = arith.subi %sign3A_4, %sign3A_7 : i32
    %sign3A_9 = arith.constant 0 : i32
    %sign3A_10 = arith.cmpi sgt, %jit3A, %sign3A_9 : i32
    %sign3A_11 = arith.extui %sign3A_10 : i1 to i32
    %sign3A_12 = arith.constant 0 : i32
    %sign3A_13 = arith.cmpi slt, %jit3A, %sign3A_12 : i32
    %sign3A_14 = arith.extui %sign3A_13 : i1 to i32
    %sign3A_15 = arith.subi %sign3A_11, %sign3A_14 : i32
    %ne3A = arith.cmpi ne, %sign3A_8, %sign3A_15 : i32
    %rem3A = arith.remsi %mul3A_2, %jit3A : i32
    %ne3A_16 = arith.constant 0 : i32
    %ne3A_17 = arith.cmpi ne, %rem3A, %ne3A_16 : i32
    %and3A = arith.andi %ne3A, %ne3A_17 : i1
    %sub3A = arith.constant 1 : i32
    %sub3A_18 = arith.subi %div3A, %sub3A : i32
    %select_n3A = arith.select %and3A, %sub3A_18, %div3A : i32
    %jit3A_19 = arith.constant 2048 : i32
    %eq3A = arith.constant 0 : i32
    %eq3A_20 = arith.cmpi eq, %jit3A_19, %eq3A : i32
    %jit3A_21 = arith.constant 1 : i32
    %select_n3A_22 = arith.select %eq3A_20, %jit3A_21, %jit3A_19 : i32
    %rem3A_23 = arith.remsi %mul3A_2, %select_n3A_22 : i32
    %ne3A_24 = arith.constant 0 : i32
    %ne3A_25 = arith.cmpi ne, %rem3A_23, %ne3A_24 : i32
    %lt3A = arith.constant 0 : i32
    %lt3A_26 = arith.cmpi slt, %rem3A_23, %lt3A : i32
    %lt3A_27 = arith.constant 0 : i32
    %lt3A_28 = arith.cmpi slt, %select_n3A_22, %lt3A_27 : i32
    %ne3A_29 = arith.xori %lt3A_26, %lt3A_28 : i1
    %and3A_30 = arith.andi %ne3A_29, %ne3A_25 : i1
    %add3A_31 = arith.addi %rem3A_23, %select_n3A_22 : i32
    %select_n3A_32 = arith.select %and3A_30, %add3A_31, %rem3A_23 : i32
    %dma_start3A = arith.constant 0 : i32
    %dma_start3A_33 = tpu.memref_slice %arg2[%select_n3A, %select_n3A_32, %dma_start3A] : memref<4x2048x2048xf32, #tpu.memory_space<hbm>> -> memref<1x8x2048xf32, #tpu.memory_space<hbm>>
    %dma_start3A_34 = tpu.memref_squeeze %dma_start3A_33 : memref<1x8x2048xf32, #tpu.memory_space<hbm>> -> memref<8x2048xf32, #tpu.memory_space<hbm>>
    %dma_start3A_35 = arith.constant 0 : i32
    %dma_start3A_36 = tpu.memref_slice %arg2[%select_n3A, %select_n3A_32, %dma_start3A_35] : memref<4x2048x2048xf32, #tpu.memory_space<hbm>> -> memref<1x8x2048xf32, #tpu.memory_space<hbm>>
    %dma_start3A_37 = tpu.memref_squeeze %dma_start3A_36 : memref<1x8x2048xf32, #tpu.memory_space<hbm>> -> memref<8x2048xf32, #tpu.memory_space<hbm>>
    tpu.enqueue_dma source(%dma_start3A_37 : memref<8x2048xf32, #tpu.memory_space<hbm>>) target(%arg6 : memref<8x2048xf32, #tpu.memory_space<vmem>>) target_semaphore(%arg12 : memref<!tpu.dma_semaphore, #tpu.memory_space<semaphore_mem>>)
    %add3A_38 = arith.constant 8 : i32
    %add3A_39 = arith.addi %select_n3A_32, %add3A_38 : i32
    %dma_start3A_40 = arith.constant 0 : i32
    %dma_start3A_41 = tpu.memref_slice %arg2[%select_n3A, %add3A_39, %dma_start3A_40] : memref<4x2048x2048xf32, #tpu.memory_space<hbm>> -> memref<1x8x2048xf32, #tpu.memory_space<hbm>>
    %dma_start3A_42 = tpu.memref_squeeze %dma_start3A_41 : memref<1x8x2048xf32, #tpu.memory_space<hbm>> -> memref<8x2048xf32, #tpu.memory_space<hbm>>
    %dma_start3A_43 = arith.constant 0 : i32
    %dma_start3A_44 = tpu.memref_slice %arg2[%select_n3A, %add3A_39, %dma_start3A_43] : memref<4x2048x2048xf32, #tpu.memory_space<hbm>> -> memref<1x8x2048xf32, #tpu.memory_space<hbm>>
    %dma_start3A_45 = tpu.memref_squeeze %dma_start3A_44 : memref<1x8x2048xf32, #tpu.memory_space<hbm>> -> memref<8x2048xf32, #tpu.memory_space<hbm>>
    tpu.enqueue_dma source(%dma_start3A_45 : memref<8x2048xf32, #tpu.memory_space<hbm>>) target(%arg7 : memref<8x2048xf32, #tpu.memory_space<vmem>>) target_semaphore(%arg13 : memref<!tpu.dma_semaphore, #tpu.memory_space<semaphore_mem>>)
    %add3A_46 = arith.constant 16 : i32
    %add3A_47 = arith.addi %select_n3A_32, %add3A_46 : i32
    %dma_start3A_48 = arith.constant 0 : i32
    %dma_start3A_49 = tpu.memref_slice %arg2[%select_n3A, %add3A_47, %dma_start3A_48] : memref<4x2048x2048xf32, #tpu.memory_space<hbm>> -> memref<1x8x2048xf32, #tpu.memory_space<hbm>>
    %dma_start3A_50 = tpu.memref_squeeze %dma_start3A_49 : memref<1x8x2048xf32, #tpu.memory_space<hbm>> -> memref<8x2048xf32, #tpu.memory_space<hbm>>
    %dma_start3A_51 = arith.constant 0 : i32
    %dma_start3A_52 = tpu.memref_slice %arg2[%select_n3A, %add3A_47, %dma_start3A_51] : memref<4x2048x2048xf32, #tpu.memory_space<hbm>> -> memref<1x8x2048xf32, #tpu.memory_space<hbm>>
    %dma_start3A_53 = tpu.memref_squeeze %dma_start3A_52 : memref<1x8x2048xf32, #tpu.memory_space<hbm>> -> memref<8x2048xf32, #tpu.memory_space<hbm>>
    tpu.enqueue_dma source(%dma_start3A_53 : memref<8x2048xf32, #tpu.memory_space<hbm>>) target(%arg8 : memref<8x2048xf32, #tpu.memory_space<vmem>>) target_semaphore(%arg14 : memref<!tpu.dma_semaphore, #tpu.memory_space<semaphore_mem>>)
    tpu.enqueue_dma source(%arg3 : memref<2048xi32, #tpu.memory_space<hbm>>) target(%arg5 : memref<2048xi32, #tpu.memory_space<vmem>>) target_semaphore(%arg18 : memref<!tpu.dma_semaphore, #tpu.memory_space<semaphore_mem>>)
    tpu.wait_dma2 semaphore(%arg18 : memref<!tpu.dma_semaphore, #tpu.memory_space<semaphore_mem>>) src(%arg3 : memref<2048xi32, #tpu.memory_space<hbm>>) dst(%arg5 : memref<2048xi32, #tpu.memory_space<vmem>>)
    %scan3A = arith.constant 0 : i32
    %scan3A_54 = arith.constant 0 : i32
    %scan3A_55 = arith.constant 11 : i32
    %scan3A_56 = arith.addi %scan3A_54, %scan3A_55 : i32
    %scan3A_57 = arith.constant 1 : i32
    scf.for %scan3A_82 = %scan3A_54 to %scan3A_56 step %scan3A_57  : i32 {
      %mul3A_83 = arith.constant 3 : i32
      %mul3A_84 = arith.muli %mul3A_83, %scan3A_82 : i32
      %add3A_85 = arith.constant 0 : i32
      %add3A_86 = arith.addi %mul3A_84, %add3A_85 : i32
      %mul3A_87 = arith.constant 8 : i32
      %mul3A_88 = arith.muli %add3A_86, %mul3A_87 : i32
      %add3A_89 = arith.addi %select_n3A_32, %mul3A_88 : i32
      %lt3A_90 = arith.constant 32 : i32
      %lt3A_91 = arith.cmpi slt, %add3A_86, %lt3A_90 : i32
      %convert_element_type3A = arith.extui %lt3A_91 : i1 to i32
      %cond3A = arith.constant 0 : i32
      %cond3A_92 = arith.cmpi ne, %convert_element_type3A, %cond3A : i32
      scf.if %cond3A_92 {
        %dma_wait3A_117 = arith.constant 0 : i32
        %dma_wait3A_118 = tpu.memref_slice %arg2[%select_n3A, %add3A_89, %dma_wait3A_117] : memref<4x2048x2048xf32, #tpu.memory_space<hbm>> -> memref<1x8x2048xf32, #tpu.memory_space<hbm>>
        %dma_wait3A_119 = tpu.memref_squeeze %dma_wait3A_118 : memref<1x8x2048xf32, #tpu.memory_space<hbm>> -> memref<8x2048xf32, #tpu.memory_space<hbm>>
        %dma_wait3A_120 = arith.constant 0 : i32
        %dma_wait3A_121 = tpu.memref_slice %arg2[%select_n3A, %add3A_89, %dma_wait3A_120] : memref<4x2048x2048xf32, #tpu.memory_space<hbm>> -> memref<1x8x2048xf32, #tpu.memory_space<hbm>>
        %dma_wait3A_122 = tpu.memref_squeeze %dma_wait3A_121 : memref<1x8x2048xf32, #tpu.memory_space<hbm>> -> memref<8x2048xf32, #tpu.memory_space<hbm>>
        tpu.wait_dma2 semaphore(%arg12 : memref<!tpu.dma_semaphore, #tpu.memory_space<semaphore_mem>>) src(%dma_wait3A_122 : memref<8x2048xf32, #tpu.memory_space<hbm>>) dst(%arg6 : memref<8x2048xf32, #tpu.memory_space<vmem>>)
        %ge3A = arith.constant 3 : i32
        %ge3A_123 = arith.cmpi sge, %add3A_86, %ge3A : i32
        %convert_element_type3A_124 = arith.extui %ge3A_123 : i1 to i32
        %cond3A_125 = arith.constant 0 : i32
        %cond3A_126 = arith.cmpi ne, %convert_element_type3A_124, %cond3A_125 : i32
        scf.if %cond3A_126 {
          %sub3A_142 = arith.constant 24 : i32
          %sub3A_143 = arith.subi %add3A_89, %sub3A_142 : i32
          %dma_wait3A_144 = arith.constant 0 : i32
          %dma_wait3A_145 = tpu.memref_slice %arg4[%select_n3A, %sub3A_143, %dma_wait3A_144] : memref<4x2048x2048xf32, #tpu.memory_space<hbm>> -> memref<1x8x2048xf32, #tpu.memory_space<hbm>>
          %dma_wait3A_146 = tpu.memref_squeeze %dma_wait3A_145 : memref<1x8x2048xf32, #tpu.memory_space<hbm>> -> memref<8x2048xf32, #tpu.memory_space<hbm>>
          %dma_wait3A_147 = arith.constant 0 : i32
          %dma_wait3A_148 = tpu.memref_slice %arg4[%select_n3A, %sub3A_143, %dma_wait3A_147] : memref<4x2048x2048xf32, #tpu.memory_space<hbm>> -> memref<1x8x2048xf32, #tpu.memory_space<hbm>>
          %dma_wait3A_149 = tpu.memref_squeeze %dma_wait3A_148 : memref<1x8x2048xf32, #tpu.memory_space<hbm>> -> memref<8x2048xf32, #tpu.memory_space<hbm>>
          tpu.wait_dma2 semaphore(%arg15 : memref<!tpu.dma_semaphore, #tpu.memory_space<semaphore_mem>>) src(%arg9 : memref<8x2048xf32, #tpu.memory_space<vmem>>) dst(%dma_wait3A_149 : memref<8x2048xf32, #tpu.memory_space<hbm>>)
        } else {
        }
        %parallel_loop3A = arith.constant 0 : i32
        %parallel_loop3A_127 = arith.constant 128 : i32
        %parallel_loop3A_128 = arith.constant 1 : i32
        scf.for %parallel_loop3A_142 = %parallel_loop3A to %parallel_loop3A_127 step %parallel_loop3A_128  : i32 {
          %parallel_loop3A_143 = arith.constant 16 : i32
          %parallel_loop3A_144 = arith.muli %parallel_loop3A_142, %parallel_loop3A_143 : i32
          %parallel_loop3A_145 = arith.index_cast %parallel_loop3A_144 : i32 to index
          %parallel_loop3A_146 = tpu.vector_load %arg5[%parallel_loop3A_145] {strides = array<i32>} : memref<2048xi32, #tpu.memory_space<vmem>>, vector<16xi32>,
          %parallel_loop3A_147 = arith.constant 0 : i32
          %parallel_loop3A_148 = vector.broadcast %parallel_loop3A_147 : i32 to vector<16xi32>
          %parallel_loop3A_149 = tpu.vector_load_idx %arg6[%parallel_loop3A_148, %parallel_loop3A_146] : memref<8x2048xf32, #tpu.memory_space<vmem>>[vector<16xi32>, vector<16xi32>], vector<16xf32>,
          %parallel_loop3A_150 = arith.constant 16 : i32
          %parallel_loop3A_151 = arith.muli %parallel_loop3A_142, %parallel_loop3A_150 : i32
          %parallel_loop3A_152 = arith.constant 0 : i32
          %parallel_loop3A_153 = arith.index_cast %parallel_loop3A_152 : i32 to index
          %parallel_loop3A_154 = arith.index_cast %parallel_loop3A_151 : i32 to index
          %parallel_loop3A_155 = tpu.vector_load %arg9[%parallel_loop3A_153, %parallel_loop3A_154] {strides = array<i32>} : memref<8x2048xf32, #tpu.memory_space<vmem>>, vector<16xf32>,
          tpu.vector_store %arg9[%parallel_loop3A_153, %parallel_loop3A_154], %parallel_loop3A_149 {strides = array<i32>} : memref<8x2048xf32, #tpu.memory_space<vmem>>, vector<16xf32>,
          %parallel_loop3A_156 = arith.constant 1 : i32
          %parallel_loop3A_157 = vector.broadcast %parallel_loop3A_156 : i32 to vector<16xi32>
          %parallel_loop3A_158 = tpu.vector_load_idx %arg6[%parallel_loop3A_157, %parallel_loop3A_146] : memref<8x2048xf32, #tpu.memory_space<vmem>>[vector<16xi32>, vector<16xi32>], vector<16xf32>,
          %parallel_loop3A_159 = arith.constant 16 : i32
          %parallel_loop3A_160 = arith.muli %parallel_loop3A_142, %parallel_loop3A_159 : i32
          %parallel_loop3A_161 = arith.constant 1 : i32
          %parallel_loop3A_162 = arith.index_cast %parallel_loop3A_161 : i32 to index
          %parallel_loop3A_163 = arith.index_cast %parallel_loop3A_160 : i32 to index
          %parallel_loop3A_164 = tpu.vector_load %arg9[%parallel_loop3A_162, %parallel_loop3A_163] {strides = array<i32>} : memref<8x2048xf32, #tpu.memory_space<vmem>>, vector<16xf32>,
          tpu.vector_store %arg9[%parallel_loop3A_162, %parallel_loop3A_163], %parallel_loop3A_158 {strides = array<i32>} : memref<8x2048xf32, #tpu.memory_space<vmem>>, vector<16xf32>,
          %parallel_loop3A_165 = arith.constant 2 : i32
          %parallel_loop3A_166 = vector.broadcast %parallel_loop3A_165 : i32 to vector<16xi32>
          %parallel_loop3A_167 = tpu.vector_load_idx %arg6[%parallel_loop3A_166, %parallel_loop3A_146] : memref<8x2048xf32, #tpu.memory_space<vmem>>[vector<16xi32>, vector<16xi32>], vector<16xf32>,
          %parallel_loop3A_168 = arith.constant 16 : i32
          %parallel_loop3A_169 = arith.muli %parallel_loop3A_142, %parallel_loop3A_168 : i32
          %parallel_loop3A_170 = arith.constant 2 : i32
          %parallel_loop3A_171 = arith.index_cast %parallel_loop3A_170 : i32 to index
          %parallel_loop3A_172 = arith.index_cast %parallel_loop3A_169 : i32 to index
          %parallel_loop3A_173 = tpu.vector_load %arg9[%parallel_loop3A_171, %parallel_loop3A_172] {strides = array<i32>} : memref<8x2048xf32, #tpu.memory_space<vmem>>, vector<16xf32>,
          tpu.vector_store %arg9[%parallel_loop3A_171, %parallel_loop3A_172], %parallel_loop3A_167 {strides = array<i32>} : memref<8x2048xf32, #tpu.memory_space<vmem>>, vector<16xf32>,
          %parallel_loop3A_174 = arith.constant 3 : i32
          %parallel_loop3A_175 = vector.broadcast %parallel_loop3A_174 : i32 to vector<16xi32>
          %parallel_loop3A_176 = tpu.vector_load_idx %arg6[%parallel_loop3A_175, %parallel_loop3A_146] : memref<8x2048xf32, #tpu.memory_space<vmem>>[vector<16xi32>, vector<16xi32>], vector<16xf32>,
          %parallel_loop3A_177 = arith.constant 16 : i32
          %parallel_loop3A_178 = arith.muli %parallel_loop3A_142, %parallel_loop3A_177 : i32
          %parallel_loop3A_179 = arith.constant 3 : i32
          %parallel_loop3A_180 = arith.index_cast %parallel_loop3A_179 : i32 to index
          %parallel_loop3A_181 = arith.index_cast %parallel_loop3A_178 : i32 to index
          %parallel_loop3A_182 = tpu.vector_load %arg9[%parallel_loop3A_180, %parallel_loop3A_181] {strides = array<i32>} : memref<8x2048xf32, #tpu.memory_space<vmem>>, vector<16xf32>,
          tpu.vector_store %arg9[%parallel_loop3A_180, %parallel_loop3A_181], %parallel_loop3A_176 {strides = array<i32>} : memref<8x2048xf32, #tpu.memory_space<vmem>>, vector<16xf32>,
          %parallel_loop3A_183 = arith.constant 4 : i32
          %parallel_loop3A_184 = vector.broadcast %parallel_loop3A_183 : i32 to vector<16xi32>
          %parallel_loop3A_185 = tpu.vector_load_idx %arg6[%parallel_loop3A_184, %parallel_loop3A_146] : memref<8x2048xf32, #tpu.memory_space<vmem>>[vector<16xi32>, vector<16xi32>], vector<16xf32>,
          %parallel_loop3A_186 = arith.constant 16 : i32
          %parallel_loop3A_187 = arith.muli %parallel_loop3A_142, %parallel_loop3A_186 : i32
          %parallel_loop3A_188 = arith.constant 4 : i32
          %parallel_loop3A_189 = arith.index_cast %parallel_loop3A_188 : i32 to index
          %parallel_loop3A_190 = arith.index_cast %parallel_loop3A_187 : i32 to index
          %parallel_loop3A_191 = tpu.vector_load %arg9[%parallel_loop3A_189, %parallel_loop3A_190] {strides = array<i32>} : memref<8x2048xf32, #tpu.memory_space<vmem>>, vector<16xf32>,
          tpu.vector_store %arg9[%parallel_loop3A_189, %parallel_loop3A_190], %parallel_loop3A_185 {strides = array<i32>} : memref<8x2048xf32, #tpu.memory_space<vmem>>, vector<16xf32>,
          %parallel_loop3A_192 = arith.constant 5 : i32
          %parallel_loop3A_193 = vector.broadcast %parallel_loop3A_192 : i32 to vector<16xi32>
          %parallel_loop3A_194 = tpu.vector_load_idx %arg6[%parallel_loop3A_193, %parallel_loop3A_146] : memref<8x2048xf32, #tpu.memory_space<vmem>>[vector<16xi32>, vector<16xi32>], vector<16xf32>,
          %parallel_loop3A_195 = arith.constant 16 : i32
          %parallel_loop3A_196 = arith.muli %parallel_loop3A_142, %parallel_loop3A_195 : i32
          %parallel_loop3A_197 = arith.constant 5 : i32
          %parallel_loop3A_198 = arith.index_cast %parallel_loop3A_197 : i32 to index
          %parallel_loop3A_199 = arith.index_cast %parallel_loop3A_196 : i32 to index
          %parallel_loop3A_200 = tpu.vector_load %arg9[%parallel_loop3A_198, %parallel_loop3A_199] {strides = array<i32>} : memref<8x2048xf32, #tpu.memory_space<vmem>>, vector<16xf32>,
          tpu.vector_store %arg9[%parallel_loop3A_198, %parallel_loop3A_199], %parallel_loop3A_194 {strides = array<i32>} : memref<8x2048xf32, #tpu.memory_space<vmem>>, vector<16xf32>,
          %parallel_loop3A_201 = arith.constant 6 : i32
          %parallel_loop3A_202 = vector.broadcast %parallel_loop3A_201 : i32 to vector<16xi32>
          %parallel_loop3A_203 = tpu.vector_load_idx %arg6[%parallel_loop3A_202, %parallel_loop3A_146] : memref<8x2048xf32, #tpu.memory_space<vmem>>[vector<16xi32>, vector<16xi32>], vector<16xf32>,
          %parallel_loop3A_204 = arith.constant 16 : i32
          %parallel_loop3A_205 = arith.muli %parallel_loop3A_142, %parallel_loop3A_204 : i32
          %parallel_loop3A_206 = arith.constant 6 : i32
          %parallel_loop3A_207 = arith.index_cast %parallel_loop3A_206 : i32 to index
          %parallel_loop3A_208 = arith.index_cast %parallel_loop3A_205 : i32 to index
          %parallel_loop3A_209 = tpu.vector_load %arg9[%parallel_loop3A_207, %parallel_loop3A_208] {strides = array<i32>} : memref<8x2048xf32, #tpu.memory_space<vmem>>, vector<16xf32>,
          tpu.vector_store %arg9[%parallel_loop3A_207, %parallel_loop3A_208], %parallel_loop3A_203 {strides = array<i32>} : memref<8x2048xf32, #tpu.memory_space<vmem>>, vector<16xf32>,
          %parallel_loop3A_210 = arith.constant 7 : i32
          %parallel_loop3A_211 = vector.broadcast %parallel_loop3A_210 : i32 to vector<16xi32>
          %parallel_loop3A_212 = tpu.vector_load_idx %arg6[%parallel_loop3A_211, %parallel_loop3A_146] : memref<8x2048xf32, #tpu.memory_space<vmem>>[vector<16xi32>, vector<16xi32>], vector<16xf32>,
          %parallel_loop3A_213 = arith.constant 16 : i32
          %parallel_loop3A_214 = arith.muli %parallel_loop3A_142, %parallel_loop3A_213 : i32
          %parallel_loop3A_215 = arith.constant 7 : i32
          %parallel_loop3A_216 = arith.index_cast %parallel_loop3A_215 : i32 to index
          %parallel_loop3A_217 = arith.index_cast %parallel_loop3A_214 : i32 to index
          %parallel_loop3A_218 = tpu.vector_load %arg9[%parallel_loop3A_216, %parallel_loop3A_217] {strides = array<i32>} : memref<8x2048xf32, #tpu.memory_space<vmem>>, vector<16xf32>,
          tpu.vector_store %arg9[%parallel_loop3A_216, %parallel_loop3A_217], %parallel_loop3A_212 {strides = array<i32>} : memref<8x2048xf32, #tpu.memory_space<vmem>>, vector<16xf32>,
        } {sc.loop_unroll_factor = 8 : i64, sc.parallel_access}
        %dma_start3A_129 = arith.constant 0 : i32
        %dma_start3A_130 = tpu.memref_slice %arg4[%select_n3A, %add3A_89, %dma_start3A_129] : memref<4x2048x2048xf32, #tpu.memory_space<hbm>> -> memref<1x8x2048xf32, #tpu.memory_space<hbm>>
        %dma_start3A_131 = tpu.memref_squeeze %dma_start3A_130 : memref<1x8x2048xf32, #tpu.memory_space<hbm>> -> memref<8x2048xf32, #tpu.memory_space<hbm>>
        %dma_start3A_132 = arith.constant 0 : i32
        %dma_start3A_133 = tpu.memref_slice %arg4[%select_n3A, %add3A_89, %dma_start3A_132] : memref<4x2048x2048xf32, #tpu.memory_space<hbm>> -> memref<1x8x2048xf32, #tpu.memory_space<hbm>>
        %dma_start3A_134 = tpu.memref_squeeze %dma_start3A_133 : memref<1x8x2048xf32, #tpu.memory_space<hbm>> -> memref<8x2048xf32, #tpu.memory_space<hbm>>
        tpu.enqueue_dma source(%arg9 : memref<8x2048xf32, #tpu.memory_space<vmem>>) target(%dma_start3A_134 : memref<8x2048xf32, #tpu.memory_space<hbm>>) target_semaphore(%arg15 : memref<!tpu.dma_semaphore, #tpu.memory_space<semaphore_mem>>)
        %add3A_135 = arith.constant 3 : i32
        %add3A_136 = arith.addi %add3A_86, %add3A_135 : i32
        %lt3A_137 = arith.constant 32 : i32
        %lt3A_138 = arith.cmpi slt, %add3A_136, %lt3A_137 : i32
        %convert_element_type3A_139 = arith.extui %lt3A_138 : i1 to i32
        %cond3A_140 = arith.constant 0 : i32
        %cond3A_141 = arith.cmpi ne, %convert_element_type3A_139, %cond3A_140 : i32
        scf.if %cond3A_141 {
          %add3A_142 = arith.constant 24 : i32
          %add3A_143 = arith.addi %add3A_89, %add3A_142 : i32
          %dma_start3A_144 = arith.constant 0 : i32
          %dma_start3A_145 = tpu.memref_slice %arg2[%select_n3A, %add3A_143, %dma_start3A_144] : memref<4x2048x2048xf32, #tpu.memory_space<hbm>> -> memref<1x8x2048xf32, #tpu.memory_space<hbm>>
          %dma_start3A_146 = tpu.memref_squeeze %dma_start3A_145 : memref<1x8x2048xf32, #tpu.memory_space<hbm>> -> memref<8x2048xf32, #tpu.memory_space<hbm>>
          %dma_start3A_147 = arith.constant 0 : i32
          %dma_start3A_148 = tpu.memref_slice %arg2[%select_n3A, %add3A_143, %dma_start3A_147] : memref<4x2048x2048xf32, #tpu.memory_space<hbm>> -> memref<1x8x2048xf32, #tpu.memory_space<hbm>>
          %dma_start3A_149 = tpu.memref_squeeze %dma_start3A_148 : memref<1x8x2048xf32, #tpu.memory_space<hbm>> -> memref<8x2048xf32, #tpu.memory_space<hbm>>
          tpu.enqueue_dma source(%dma_start3A_149 : memref<8x2048xf32, #tpu.memory_space<hbm>>) target(%arg6 : memref<8x2048xf32, #tpu.memory_space<vmem>>) target_semaphore(%arg12 : memref<!tpu.dma_semaphore, #tpu.memory_space<semaphore_mem>>)
        } else {
        }
      } else {
      }
      %mul3A_93 = arith.constant 3 : i32
      %mul3A_94 = arith.muli %mul3A_93, %scan3A_82 : i32
      %add3A_95 = arith.constant 1 : i32
      %add3A_96 = arith.addi %mul3A_94, %add3A_95 : i32
      %mul3A_97 = arith.constant 8 : i32
      %mul3A_98 = arith.muli %add3A_96, %mul3A_97 : i32
      %add3A_99 = arith.addi %select_n3A_32, %mul3A_98 : i32
      %lt3A_100 = arith.constant 32 : i32
      %lt3A_101 = arith.cmpi slt, %add3A_96, %lt3A_100 : i32
      %convert_element_type3A_102 = arith.extui %lt3A_101 : i1 to i32
      %cond3A_103 = arith.constant 0 : i32
      %cond3A_104 = arith.cmpi ne, %convert_element_type3A_102, %cond3A_103 : i32
      scf.if %cond3A_104 {
        %dma_wait3A_117 = arith.constant 0 : i32
        %dma_wait3A_118 = tpu.memref_slice %arg2[%select_n3A, %add3A_99, %dma_wait3A_117] : memref<4x2048x2048xf32, #tpu.memory_space<hbm>> -> memref<1x8x2048xf32, #tpu.memory_space<hbm>>
        %dma_wait3A_119 = tpu.memref_squeeze %dma_wait3A_118 : memref<1x8x2048xf32, #tpu.memory_space<hbm>> -> memref<8x2048xf32, #tpu.memory_space<hbm>>
        %dma_wait3A_120 = arith.constant 0 : i32
        %dma_wait3A_121 = tpu.memref_slice %arg2[%select_n3A, %add3A_99, %dma_wait3A_120] : memref<4x2048x2048xf32, #tpu.memory_space<hbm>> -> memref<1x8x2048xf32, #tpu.memory_space<hbm>>
        %dma_wait3A_122 = tpu.memref_squeeze %dma_wait3A_121 : memref<1x8x2048xf32, #tpu.memory_space<hbm>> -> memref<8x2048xf32, #tpu.memory_space<hbm>>
        tpu.wait_dma2 semaphore(%arg13 : memref<!tpu.dma_semaphore, #tpu.memory_space<semaphore_mem>>) src(%dma_wait3A_122 : memref<8x2048xf32, #tpu.memory_space<hbm>>) dst(%arg7 : memref<8x2048xf32, #tpu.memory_space<vmem>>)
        %ge3A = arith.constant 3 : i32
        %ge3A_123 = arith.cmpi sge, %add3A_96, %ge3A : i32
        %convert_element_type3A_124 = arith.extui %ge3A_123 : i1 to i32
        %cond3A_125 = arith.constant 0 : i32
        %cond3A_126 = arith.cmpi ne, %convert_element_type3A_124, %cond3A_125 : i32
        scf.if %cond3A_126 {
          %sub3A_142 = arith.constant 24 : i32
          %sub3A_143 = arith.subi %add3A_99, %sub3A_142 : i32
          %dma_wait3A_144 = arith.constant 0 : i32
          %dma_wait3A_145 = tpu.memref_slice %arg4[%select_n3A, %sub3A_143, %dma_wait3A_144] : memref<4x2048x2048xf32, #tpu.memory_space<hbm>> -> memref<1x8x2048xf32, #tpu.memory_space<hbm>>
          %dma_wait3A_146 = tpu.memref_squeeze %dma_wait3A_145 : memref<1x8x2048xf32, #tpu.memory_space<hbm>> -> memref<8x2048xf32, #tpu.memory_space<hbm>>
          %dma_wait3A_147 = arith.constant 0 : i32
          %dma_wait3A_148 = tpu.memref_slice %arg4[%select_n3A, %sub3A_143, %dma_wait3A_147] : memref<4x2048x2048xf32, #tpu.memory_space<hbm>> -> memref<1x8x2048xf32, #tpu.memory_space<hbm>>
          %dma_wait3A_149 = tpu.memref_squeeze %dma_wait3A_148 : memref<1x8x2048xf32, #tpu.memory_space<hbm>> -> memref<8x2048xf32, #tpu.memory_space<hbm>>
          tpu.wait_dma2 semaphore(%arg16 : memref<!tpu.dma_semaphore, #tpu.memory_space<semaphore_mem>>) src(%arg10 : memref<8x2048xf32, #tpu.memory_space<vmem>>) dst(%dma_wait3A_149 : memref<8x2048xf32, #tpu.memory_space<hbm>>)
        } else {
        }
        %parallel_loop3A = arith.constant 0 : i32
        %parallel_loop3A_127 = arith.constant 128 : i32
        %parallel_loop3A_128 = arith.constant 1 : i32
        scf.for %parallel_loop3A_142 = %parallel_loop3A to %parallel_loop3A_127 step %parallel_loop3A_128  : i32 {
          %parallel_loop3A_143 = arith.constant 16 : i32
          %parallel_loop3A_144 = arith.muli %parallel_loop3A_142, %parallel_loop3A_143 : i32
          %parallel_loop3A_145 = arith.index_cast %parallel_loop3A_144 : i32 to index
          %parallel_loop3A_146 = tpu.vector_load %arg5[%parallel_loop3A_145] {strides = array<i32>} : memref<2048xi32, #tpu.memory_space<vmem>>, vector<16xi32>,
          %parallel_loop3A_147 = arith.constant 0 : i32
          %parallel_loop3A_148 = vector.broadcast %parallel_loop3A_147 : i32 to vector<16xi32>
          %parallel_loop3A_149 = tpu.vector_load_idx %arg7[%parallel_loop3A_148, %parallel_loop3A_146] : memref<8x2048xf32, #tpu.memory_space<vmem>>[vector<16xi32>, vector<16xi32>], vector<16xf32>,
          %parallel_loop3A_150 = arith.constant 16 : i32
          %parallel_loop3A_151 = arith.muli %parallel_loop3A_142, %parallel_loop3A_150 : i32
          %parallel_loop3A_152 = arith.constant 0 : i32
          %parallel_loop3A_153 = arith.index_cast %parallel_loop3A_152 : i32 to index
          %parallel_loop3A_154 = arith.index_cast %parallel_loop3A_151 : i32 to index
          %parallel_loop3A_155 = tpu.vector_load %arg10[%parallel_loop3A_153, %parallel_loop3A_154] {strides = array<i32>} : memref<8x2048xf32, #tpu.memory_space<vmem>>, vector<16xf32>,
          tpu.vector_store %arg10[%parallel_loop3A_153, %parallel_loop3A_154], %parallel_loop3A_149 {strides = array<i32>} : memref<8x2048xf32, #tpu.memory_space<vmem>>, vector<16xf32>,
          %parallel_loop3A_156 = arith.constant 1 : i32
          %parallel_loop3A_157 = vector.broadcast %parallel_loop3A_156 : i32 to vector<16xi32>
          %parallel_loop3A_158 = tpu.vector_load_idx %arg7[%parallel_loop3A_157, %parallel_loop3A_146] : memref<8x2048xf32, #tpu.memory_space<vmem>>[vector<16xi32>, vector<16xi32>], vector<16xf32>,
          %parallel_loop3A_159 = arith.constant 16 : i32
          %parallel_loop3A_160 = arith.muli %parallel_loop3A_142, %parallel_loop3A_159 : i32
          %parallel_loop3A_161 = arith.constant 1 : i32
          %parallel_loop3A_162 = arith.index_cast %parallel_loop3A_161 : i32 to index
          %parallel_loop3A_163 = arith.index_cast %parallel_loop3A_160 : i32 to index
          %parallel_loop3A_164 = tpu.vector_load %arg10[%parallel_loop3A_162, %parallel_loop3A_163] {strides = array<i32>} : memref<8x2048xf32, #tpu.memory_space<vmem>>, vector<16xf32>,
          tpu.vector_store %arg10[%parallel_loop3A_162, %parallel_loop3A_163], %parallel_loop3A_158 {strides = array<i32>} : memref<8x2048xf32, #tpu.memory_space<vmem>>, vector<16xf32>,
          %parallel_loop3A_165 = arith.constant 2 : i32
          %parallel_loop3A_166 = vector.broadcast %parallel_loop3A_165 : i32 to vector<16xi32>
          %parallel_loop3A_167 = tpu.vector_load_idx %arg7[%parallel_loop3A_166, %parallel_loop3A_146] : memref<8x2048xf32, #tpu.memory_space<vmem>>[vector<16xi32>, vector<16xi32>], vector<16xf32>,
          %parallel_loop3A_168 = arith.constant 16 : i32
          %parallel_loop3A_169 = arith.muli %parallel_loop3A_142, %parallel_loop3A_168 : i32
          %parallel_loop3A_170 = arith.constant 2 : i32
          %parallel_loop3A_171 = arith.index_cast %parallel_loop3A_170 : i32 to index
          %parallel_loop3A_172 = arith.index_cast %parallel_loop3A_169 : i32 to index
          %parallel_loop3A_173 = tpu.vector_load %arg10[%parallel_loop3A_171, %parallel_loop3A_172] {strides = array<i32>} : memref<8x2048xf32, #tpu.memory_space<vmem>>, vector<16xf32>,
          tpu.vector_store %arg10[%parallel_loop3A_171, %parallel_loop3A_172], %parallel_loop3A_167 {strides = array<i32>} : memref<8x2048xf32, #tpu.memory_space<vmem>>, vector<16xf32>,
          %parallel_loop3A_174 = arith.constant 3 : i32
          %parallel_loop3A_175 = vector.broadcast %parallel_loop3A_174 : i32 to vector<16xi32>
          %parallel_loop3A_176 = tpu.vector_load_idx %arg7[%parallel_loop3A_175, %parallel_loop3A_146] : memref<8x2048xf32, #tpu.memory_space<vmem>>[vector<16xi32>, vector<16xi32>], vector<16xf32>,
          %parallel_loop3A_177 = arith.constant 16 : i32
          %parallel_loop3A_178 = arith.muli %parallel_loop3A_142, %parallel_loop3A_177 : i32
          %parallel_loop3A_179 = arith.constant 3 : i32
          %parallel_loop3A_180 = arith.index_cast %parallel_loop3A_179 : i32 to index
          %parallel_loop3A_181 = arith.index_cast %parallel_loop3A_178 : i32 to index
          %parallel_loop3A_182 = tpu.vector_load %arg10[%parallel_loop3A_180, %parallel_loop3A_181] {strides = array<i32>} : memref<8x2048xf32, #tpu.memory_space<vmem>>, vector<16xf32>,
          tpu.vector_store %arg10[%parallel_loop3A_180, %parallel_loop3A_181], %parallel_loop3A_176 {strides = array<i32>} : memref<8x2048xf32, #tpu.memory_space<vmem>>, vector<16xf32>,
          %parallel_loop3A_183 = arith.constant 4 : i32
          %parallel_loop3A_184 = vector.broadcast %parallel_loop3A_183 : i32 to vector<16xi32>
          %parallel_loop3A_185 = tpu.vector_load_idx %arg7[%parallel_loop3A_184, %parallel_loop3A_146] : memref<8x2048xf32, #tpu.memory_space<vmem>>[vector<16xi32>, vector<16xi32>], vector<16xf32>,
          %parallel_loop3A_186 = arith.constant 16 : i32
          %parallel_loop3A_187 = arith.muli %parallel_loop3A_142, %parallel_loop3A_186 : i32
          %parallel_loop3A_188 = arith.constant 4 : i32
          %parallel_loop3A_189 = arith.index_cast %parallel_loop3A_188 : i32 to index
          %parallel_loop3A_190 = arith.index_cast %parallel_loop3A_187 : i32 to index
          %parallel_loop3A_191 = tpu.vector_load %arg10[%parallel_loop3A_189, %parallel_loop3A_190] {strides = array<i32>} : memref<8x2048xf32, #tpu.memory_space<vmem>>, vector<16xf32>,
          tpu.vector_store %arg10[%parallel_loop3A_189, %parallel_loop3A_190], %parallel_loop3A_185 {strides = array<i32>} : memref<8x2048xf32, #tpu.memory_space<vmem>>, vector<16xf32>,
          %parallel_loop3A_192 = arith.constant 5 : i32
          %parallel_loop3A_193 = vector.broadcast %parallel_loop3A_192 : i32 to vector<16xi32>
          %parallel_loop3A_194 = tpu.vector_load_idx %arg7[%parallel_loop3A_193, %parallel_loop3A_146] : memref<8x2048xf32, #tpu.memory_space<vmem>>[vector<16xi32>, vector<16xi32>], vector<16xf32>,
          %parallel_loop3A_195 = arith.constant 16 : i32
          %parallel_loop3A_196 = arith.muli %parallel_loop3A_142, %parallel_loop3A_195 : i32
          %parallel_loop3A_197 = arith.constant 5 : i32
          %parallel_loop3A_198 = arith.index_cast %parallel_loop3A_197 : i32 to index
          %parallel_loop3A_199 = arith.index_cast %parallel_loop3A_196 : i32 to index
          %parallel_loop3A_200 = tpu.vector_load %arg10[%parallel_loop3A_198, %parallel_loop3A_199] {strides = array<i32>} : memref<8x2048xf32, #tpu.memory_space<vmem>>, vector<16xf32>,
          tpu.vector_store %arg10[%parallel_loop3A_198, %parallel_loop3A_199], %parallel_loop3A_194 {strides = array<i32>} : memref<8x2048xf32, #tpu.memory_space<vmem>>, vector<16xf32>,
          %parallel_loop3A_201 = arith.constant 6 : i32
          %parallel_loop3A_202 = vector.broadcast %parallel_loop3A_201 : i32 to vector<16xi32>
          %parallel_loop3A_203 = tpu.vector_load_idx %arg7[%parallel_loop3A_202, %parallel_loop3A_146] : memref<8x2048xf32, #tpu.memory_space<vmem>>[vector<16xi32>, vector<16xi32>], vector<16xf32>,
          %parallel_loop3A_204 = arith.constant 16 : i32
          %parallel_loop3A_205 = arith.muli %parallel_loop3A_142, %parallel_loop3A_204 : i32
          %parallel_loop3A_206 = arith.constant 6 : i32
          %parallel_loop3A_207 = arith.index_cast %parallel_loop3A_206 : i32 to index
          %parallel_loop3A_208 = arith.index_cast %parallel_loop3A_205 : i32 to index
          %parallel_loop3A_209 = tpu.vector_load %arg10[%parallel_loop3A_207, %parallel_loop3A_208] {strides = array<i32>} : memref<8x2048xf32, #tpu.memory_space<vmem>>, vector<16xf32>,
          tpu.vector_store %arg10[%parallel_loop3A_207, %parallel_loop3A_208], %parallel_loop3A_203 {strides = array<i32>} : memref<8x2048xf32, #tpu.memory_space<vmem>>, vector<16xf32>,
          %parallel_loop3A_210 = arith.constant 7 : i32
          %parallel_loop3A_211 = vector.broadcast %parallel_loop3A_210 : i32 to vector<16xi32>
          %parallel_loop3A_212 = tpu.vector_load_idx %arg7[%parallel_loop3A_211, %parallel_loop3A_146] : memref<8x2048xf32, #tpu.memory_space<vmem>>[vector<16xi32>, vector<16xi32>], vector<16xf32>,
          %parallel_loop3A_213 = arith.constant 16 : i32
          %parallel_loop3A_214 = arith.muli %parallel_loop3A_142, %parallel_loop3A_213 : i32
          %parallel_loop3A_215 = arith.constant 7 : i32
          %parallel_loop3A_216 = arith.index_cast %parallel_loop3A_215 : i32 to index
          %parallel_loop3A_217 = arith.index_cast %parallel_loop3A_214 : i32 to index
          %parallel_loop3A_218 = tpu.vector_load %arg10[%parallel_loop3A_216, %parallel_loop3A_217] {strides = array<i32>} : memref<8x2048xf32, #tpu.memory_space<vmem>>, vector<16xf32>,
          tpu.vector_store %arg10[%parallel_loop3A_216, %parallel_loop3A_217], %parallel_loop3A_212 {strides = array<i32>} : memref<8x2048xf32, #tpu.memory_space<vmem>>, vector<16xf32>,
        } {sc.loop_unroll_factor = 8 : i64, sc.parallel_access}
        %dma_start3A_129 = arith.constant 0 : i32
        %dma_start3A_130 = tpu.memref_slice %arg4[%select_n3A, %add3A_99, %dma_start3A_129] : memref<4x2048x2048xf32, #tpu.memory_space<hbm>> -> memref<1x8x2048xf32, #tpu.memory_space<hbm>>
        %dma_start3A_131 = tpu.memref_squeeze %dma_start3A_130 : memref<1x8x2048xf32, #tpu.memory_space<hbm>> -> memref<8x2048xf32, #tpu.memory_space<hbm>>
        %dma_start3A_132 = arith.constant 0 : i32
        %dma_start3A_133 = tpu.memref_slice %arg4[%select_n3A, %add3A_99, %dma_start3A_132] : memref<4x2048x2048xf32, #tpu.memory_space<hbm>> -> memref<1x8x2048xf32, #tpu.memory_space<hbm>>
        %dma_start3A_134 = tpu.memref_squeeze %dma_start3A_133 : memref<1x8x2048xf32, #tpu.memory_space<hbm>> -> memref<8x2048xf32, #tpu.memory_space<hbm>>
        tpu.enqueue_dma source(%arg10 : memref<8x2048xf32, #tpu.memory_space<vmem>>) target(%dma_start3A_134 : memref<8x2048xf32, #tpu.memory_space<hbm>>) target_semaphore(%arg16 : memref<!tpu.dma_semaphore, #tpu.memory_space<semaphore_mem>>)
        %add3A_135 = arith.constant 3 : i32
        %add3A_136 = arith.addi %add3A_96, %add3A_135 : i32
        %lt3A_137 = arith.constant 32 : i32
        %lt3A_138 = arith.cmpi slt, %add3A_136, %lt3A_137 : i32
        %convert_element_type3A_139 = arith.extui %lt3A_138 : i1 to i32
        %cond3A_140 = arith.constant 0 : i32
        %cond3A_141 = arith.cmpi ne, %convert_element_type3A_139, %cond3A_140 : i32
        scf.if %cond3A_141 {
          %add3A_142 = arith.constant 24 : i32
          %add3A_143 = arith.addi %add3A_99, %add3A_142 : i32
          %dma_start3A_144 = arith.constant 0 : i32
          %dma_start3A_145 = tpu.memref_slice %arg2[%select_n3A, %add3A_143, %dma_start3A_144] : memref<4x2048x2048xf32, #tpu.memory_space<hbm>> -> memref<1x8x2048xf32, #tpu.memory_space<hbm>>
          %dma_start3A_146 = tpu.memref_squeeze %dma_start3A_145 : memref<1x8x2048xf32, #tpu.memory_space<hbm>> -> memref<8x2048xf32, #tpu.memory_space<hbm>>
          %dma_start3A_147 = arith.constant 0 : i32
          %dma_start3A_148 = tpu.memref_slice %arg2[%select_n3A, %add3A_143, %dma_start3A_147] : memref<4x2048x2048xf32, #tpu.memory_space<hbm>> -> memref<1x8x2048xf32, #tpu.memory_space<hbm>>
          %dma_start3A_149 = tpu.memref_squeeze %dma_start3A_148 : memref<1x8x2048xf32, #tpu.memory_space<hbm>> -> memref<8x2048xf32, #tpu.memory_space<hbm>>
          tpu.enqueue_dma source(%dma_start3A_149 : memref<8x2048xf32, #tpu.memory_space<hbm>>) target(%arg7 : memref<8x2048xf32, #tpu.memory_space<vmem>>) target_semaphore(%arg13 : memref<!tpu.dma_semaphore, #tpu.memory_space<semaphore_mem>>)
        } else {
        }
      } else {
      }
      %mul3A_105 = arith.constant 3 : i32
      %mul3A_106 = arith.muli %mul3A_105, %scan3A_82 : i32
      %add3A_107 = arith.constant 2 : i32
      %add3A_108 = arith.addi %mul3A_106, %add3A_107 : i32
      %mul3A_109 = arith.constant 8 : i32
      %mul3A_110 = arith.muli %add3A_108, %mul3A_109 : i32
      %add3A_111 = arith.addi %select_n3A_32, %mul3A_110 : i32
      %lt3A_112 = arith.constant 32 : i32
      %lt3A_113 = arith.cmpi slt, %add3A_108, %lt3A_112 : i32
      %convert_element_type3A_114 = arith.extui %lt3A_113 : i1 to i32
      %cond3A_115 = arith.constant 0 : i32
      %cond3A_116 = arith.cmpi ne, %convert_element_type3A_114, %cond3A_115 : i32
      scf.if %cond3A_116 {
        %dma_wait3A_117 = arith.constant 0 : i32
        %dma_wait3A_118 = tpu.memref_slice %arg2[%select_n3A, %add3A_111, %dma_wait3A_117] : memref<4x2048x2048xf32, #tpu.memory_space<hbm>> -> memref<1x8x2048xf32, #tpu.memory_space<hbm>>
        %dma_wait3A_119 = tpu.memref_squeeze %dma_wait3A_118 : memref<1x8x2048xf32, #tpu.memory_space<hbm>> -> memref<8x2048xf32, #tpu.memory_space<hbm>>
        %dma_wait3A_120 = arith.constant 0 : i32
        %dma_wait3A_121 = tpu.memref_slice %arg2[%select_n3A, %add3A_111, %dma_wait3A_120] : memref<4x2048x2048xf32, #tpu.memory_space<hbm>> -> memref<1x8x2048xf32, #tpu.memory_space<hbm>>
        %dma_wait3A_122 = tpu.memref_squeeze %dma_wait3A_121 : memref<1x8x2048xf32, #tpu.memory_space<hbm>> -> memref<8x2048xf32, #tpu.memory_space<hbm>>
        tpu.wait_dma2 semaphore(%arg14 : memref<!tpu.dma_semaphore, #tpu.memory_space<semaphore_mem>>) src(%dma_wait3A_122 : memref<8x2048xf32, #tpu.memory_space<hbm>>) dst(%arg8 : memref<8x2048xf32, #tpu.memory_space<vmem>>)
        %ge3A = arith.constant 3 : i32
        %ge3A_123 = arith.cmpi sge, %add3A_108, %ge3A : i32
        %convert_element_type3A_124 = arith.extui %ge3A_123 : i1 to i32
        %cond3A_125 = arith.constant 0 : i32
        %cond3A_126 = arith.cmpi ne, %convert_element_type3A_124, %cond3A_125 : i32
        scf.if %cond3A_126 {
          %sub3A_142 = arith.constant 24 : i32
          %sub3A_143 = arith.subi %add3A_111, %sub3A_142 : i32
          %dma_wait3A_144 = arith.constant 0 : i32
          %dma_wait3A_145 = tpu.memref_slice %arg4[%select_n3A, %sub3A_143, %dma_wait3A_144] : memref<4x2048x2048xf32, #tpu.memory_space<hbm>> -> memref<1x8x2048xf32, #tpu.memory_space<hbm>>
          %dma_wait3A_146 = tpu.memref_squeeze %dma_wait3A_145 : memref<1x8x2048xf32, #tpu.memory_space<hbm>> -> memref<8x2048xf32, #tpu.memory_space<hbm>>
          %dma_wait3A_147 = arith.constant 0 : i32
          %dma_wait3A_148 = tpu.memref_slice %arg4[%select_n3A, %sub3A_143, %dma_wait3A_147] : memref<4x2048x2048xf32, #tpu.memory_space<hbm>> -> memref<1x8x2048xf32, #tpu.memory_space<hbm>>
          %dma_wait3A_149 = tpu.memref_squeeze %dma_wait3A_148 : memref<1x8x2048xf32, #tpu.memory_space<hbm>> -> memref<8x2048xf32, #tpu.memory_space<hbm>>
          tpu.wait_dma2 semaphore(%arg17 : memref<!tpu.dma_semaphore, #tpu.memory_space<semaphore_mem>>) src(%arg11 : memref<8x2048xf32, #tpu.memory_space<vmem>>) dst(%dma_wait3A_149 : memref<8x2048xf32, #tpu.memory_space<hbm>>)
        } else {
        }
        %parallel_loop3A = arith.constant 0 : i32
        %parallel_loop3A_127 = arith.constant 128 : i32
        %parallel_loop3A_128 = arith.constant 1 : i32
        scf.for %parallel_loop3A_142 = %parallel_loop3A to %parallel_loop3A_127 step %parallel_loop3A_128  : i32 {
          %parallel_loop3A_143 = arith.constant 16 : i32
          %parallel_loop3A_144 = arith.muli %parallel_loop3A_142, %parallel_loop3A_143 : i32
          %parallel_loop3A_145 = arith.index_cast %parallel_loop3A_144 : i32 to index
          %parallel_loop3A_146 = tpu.vector_load %arg5[%parallel_loop3A_145] {strides = array<i32>} : memref<2048xi32, #tpu.memory_space<vmem>>, vector<16xi32>,
          %parallel_loop3A_147 = arith.constant 0 : i32
          %parallel_loop3A_148 = vector.broadcast %parallel_loop3A_147 : i32 to vector<16xi32>
          %parallel_loop3A_149 = tpu.vector_load_idx %arg8[%parallel_loop3A_148, %parallel_loop3A_146] : memref<8x2048xf32, #tpu.memory_space<vmem>>[vector<16xi32>, vector<16xi32>], vector<16xf32>,
          %parallel_loop3A_150 = arith.constant 16 : i32
          %parallel_loop3A_151 = arith.muli %parallel_loop3A_142, %parallel_loop3A_150 : i32
          %parallel_loop3A_152 = arith.constant 0 : i32
          %parallel_loop3A_153 = arith.index_cast %parallel_loop3A_152 : i32 to index
          %parallel_loop3A_154 = arith.index_cast %parallel_loop3A_151 : i32 to index
          %parallel_loop3A_155 = tpu.vector_load %arg11[%parallel_loop3A_153, %parallel_loop3A_154] {strides = array<i32>} : memref<8x2048xf32, #tpu.memory_space<vmem>>, vector<16xf32>,
          tpu.vector_store %arg11[%parallel_loop3A_153, %parallel_loop3A_154], %parallel_loop3A_149 {strides = array<i32>} : memref<8x2048xf32, #tpu.memory_space<vmem>>, vector<16xf32>,
          %parallel_loop3A_156 = arith.constant 1 : i32
          %parallel_loop3A_157 = vector.broadcast %parallel_loop3A_156 : i32 to vector<16xi32>
          %parallel_loop3A_158 = tpu.vector_load_idx %arg8[%parallel_loop3A_157, %parallel_loop3A_146] : memref<8x2048xf32, #tpu.memory_space<vmem>>[vector<16xi32>, vector<16xi32>], vector<16xf32>,
          %parallel_loop3A_159 = arith.constant 16 : i32
          %parallel_loop3A_160 = arith.muli %parallel_loop3A_142, %parallel_loop3A_159 : i32
          %parallel_loop3A_161 = arith.constant 1 : i32
          %parallel_loop3A_162 = arith.index_cast %parallel_loop3A_161 : i32 to index
          %parallel_loop3A_163 = arith.index_cast %parallel_loop3A_160 : i32 to index
          %parallel_loop3A_164 = tpu.vector_load %arg11[%parallel_loop3A_162, %parallel_loop3A_163] {strides = array<i32>} : memref<8x2048xf32, #tpu.memory_space<vmem>>, vector<16xf32>,
          tpu.vector_store %arg11[%parallel_loop3A_162, %parallel_loop3A_163], %parallel_loop3A_158 {strides = array<i32>} : memref<8x2048xf32, #tpu.memory_space<vmem>>, vector<16xf32>,
          %parallel_loop3A_165 = arith.constant 2 : i32
          %parallel_loop3A_166 = vector.broadcast %parallel_loop3A_165 : i32 to vector<16xi32>
          %parallel_loop3A_167 = tpu.vector_load_idx %arg8[%parallel_loop3A_166, %parallel_loop3A_146] : memref<8x2048xf32, #tpu.memory_space<vmem>>[vector<16xi32>, vector<16xi32>], vector<16xf32>,
          %parallel_loop3A_168 = arith.constant 16 : i32
          %parallel_loop3A_169 = arith.muli %parallel_loop3A_142, %parallel_loop3A_168 : i32
          %parallel_loop3A_170 = arith.constant 2 : i32
          %parallel_loop3A_171 = arith.index_cast %parallel_loop3A_170 : i32 to index
          %parallel_loop3A_172 = arith.index_cast %parallel_loop3A_169 : i32 to index
          %parallel_loop3A_173 = tpu.vector_load %arg11[%parallel_loop3A_171, %parallel_loop3A_172] {strides = array<i32>} : memref<8x2048xf32, #tpu.memory_space<vmem>>, vector<16xf32>,
          tpu.vector_store %arg11[%parallel_loop3A_171, %parallel_loop3A_172], %parallel_loop3A_167 {strides = array<i32>} : memref<8x2048xf32, #tpu.memory_space<vmem>>, vector<16xf32>,
          %parallel_loop3A_174 = arith.constant 3 : i32
          %parallel_loop3A_175 = vector.broadcast %parallel_loop3A_174 : i32 to vector<16xi32>
          %parallel_loop3A_176 = tpu.vector_load_idx %arg8[%parallel_loop3A_175, %parallel_loop3A_146] : memref<8x2048xf32, #tpu.memory_space<vmem>>[vector<16xi32>, vector<16xi32>], vector<16xf32>,
          %parallel_loop3A_177 = arith.constant 16 : i32
          %parallel_loop3A_178 = arith.muli %parallel_loop3A_142, %parallel_loop3A_177 : i32
          %parallel_loop3A_179 = arith.constant 3 : i32
          %parallel_loop3A_180 = arith.index_cast %parallel_loop3A_179 : i32 to index
          %parallel_loop3A_181 = arith.index_cast %parallel_loop3A_178 : i32 to index
          %parallel_loop3A_182 = tpu.vector_load %arg11[%parallel_loop3A_180, %parallel_loop3A_181] {strides = array<i32>} : memref<8x2048xf32, #tpu.memory_space<vmem>>, vector<16xf32>,
          tpu.vector_store %arg11[%parallel_loop3A_180, %parallel_loop3A_181], %parallel_loop3A_176 {strides = array<i32>} : memref<8x2048xf32, #tpu.memory_space<vmem>>, vector<16xf32>,
          %parallel_loop3A_183 = arith.constant 4 : i32
          %parallel_loop3A_184 = vector.broadcast %parallel_loop3A_183 : i32 to vector<16xi32>
          %parallel_loop3A_185 = tpu.vector_load_idx %arg8[%parallel_loop3A_184, %parallel_loop3A_146] : memref<8x2048xf32, #tpu.memory_space<vmem>>[vector<16xi32>, vector<16xi32>], vector<16xf32>,
          %parallel_loop3A_186 = arith.constant 16 : i32
          %parallel_loop3A_187 = arith.muli %parallel_loop3A_142, %parallel_loop3A_186 : i32
          %parallel_loop3A_188 = arith.constant 4 : i32
          %parallel_loop3A_189 = arith.index_cast %parallel_loop3A_188 : i32 to index
          %parallel_loop3A_190 = arith.index_cast %parallel_loop3A_187 : i32 to index
          %parallel_loop3A_191 = tpu.vector_load %arg11[%parallel_loop3A_189, %parallel_loop3A_190] {strides = array<i32>} : memref<8x2048xf32, #tpu.memory_space<vmem>>, vector<16xf32>,
          tpu.vector_store %arg11[%parallel_loop3A_189, %parallel_loop3A_190], %parallel_loop3A_185 {strides = array<i32>} : memref<8x2048xf32, #tpu.memory_space<vmem>>, vector<16xf32>,
          %parallel_loop3A_192 = arith.constant 5 : i32
          %parallel_loop3A_193 = vector.broadcast %parallel_loop3A_192 : i32 to vector<16xi32>
          %parallel_loop3A_194 = tpu.vector_load_idx %arg8[%parallel_loop3A_193, %parallel_loop3A_146] : memref<8x2048xf32, #tpu.memory_space<vmem>>[vector<16xi32>, vector<16xi32>], vector<16xf32>,
          %parallel_loop3A_195 = arith.constant 16 : i32
          %parallel_loop3A_196 = arith.muli %parallel_loop3A_142, %parallel_loop3A_195 : i32
          %parallel_loop3A_197 = arith.constant 5 : i32
          %parallel_loop3A_198 = arith.index_cast %parallel_loop3A_197 : i32 to index
          %parallel_loop3A_199 = arith.index_cast %parallel_loop3A_196 : i32 to index
          %parallel_loop3A_200 = tpu.vector_load %arg11[%parallel_loop3A_198, %parallel_loop3A_199] {strides = array<i32>} : memref<8x2048xf32, #tpu.memory_space<vmem>>, vector<16xf32>,
          tpu.vector_store %arg11[%parallel_loop3A_198, %parallel_loop3A_199], %parallel_loop3A_194 {strides = array<i32>} : memref<8x2048xf32, #tpu.memory_space<vmem>>, vector<16xf32>,
          %parallel_loop3A_201 = arith.constant 6 : i32
          %parallel_loop3A_202 = vector.broadcast %parallel_loop3A_201 : i32 to vector<16xi32>
          %parallel_loop3A_203 = tpu.vector_load_idx %arg8[%parallel_loop3A_202, %parallel_loop3A_146] : memref<8x2048xf32, #tpu.memory_space<vmem>>[vector<16xi32>, vector<16xi32>], vector<16xf32>,
          %parallel_loop3A_204 = arith.constant 16 : i32
          %parallel_loop3A_205 = arith.muli %parallel_loop3A_142, %parallel_loop3A_204 : i32
          %parallel_loop3A_206 = arith.constant 6 : i32
          %parallel_loop3A_207 = arith.index_cast %parallel_loop3A_206 : i32 to index
          %parallel_loop3A_208 = arith.index_cast %parallel_loop3A_205 : i32 to index
          %parallel_loop3A_209 = tpu.vector_load %arg11[%parallel_loop3A_207, %parallel_loop3A_208] {strides = array<i32>} : memref<8x2048xf32, #tpu.memory_space<vmem>>, vector<16xf32>,
          tpu.vector_store %arg11[%parallel_loop3A_207, %parallel_loop3A_208], %parallel_loop3A_203 {strides = array<i32>} : memref<8x2048xf32, #tpu.memory_space<vmem>>, vector<16xf32>,
          %parallel_loop3A_210 = arith.constant 7 : i32
          %parallel_loop3A_211 = vector.broadcast %parallel_loop3A_210 : i32 to vector<16xi32>
          %parallel_loop3A_212 = tpu.vector_load_idx %arg8[%parallel_loop3A_211, %parallel_loop3A_146] : memref<8x2048xf32, #tpu.memory_space<vmem>>[vector<16xi32>, vector<16xi32>], vector<16xf32>,
          %parallel_loop3A_213 = arith.constant 16 : i32
          %parallel_loop3A_214 = arith.muli %parallel_loop3A_142, %parallel_loop3A_213 : i32
          %parallel_loop3A_215 = arith.constant 7 : i32
          %parallel_loop3A_216 = arith.index_cast %parallel_loop3A_215 : i32 to index
          %parallel_loop3A_217 = arith.index_cast %parallel_loop3A_214 : i32 to index
          %parallel_loop3A_218 = tpu.vector_load %arg11[%parallel_loop3A_216, %parallel_loop3A_217] {strides = array<i32>} : memref<8x2048xf32, #tpu.memory_space<vmem>>, vector<16xf32>,
          tpu.vector_store %arg11[%parallel_loop3A_216, %parallel_loop3A_217], %parallel_loop3A_212 {strides = array<i32>} : memref<8x2048xf32, #tpu.memory_space<vmem>>, vector<16xf32>,
        } {sc.loop_unroll_factor = 8 : i64, sc.parallel_access}
        %dma_start3A_129 = arith.constant 0 : i32
        %dma_start3A_130 = tpu.memref_slice %arg4[%select_n3A, %add3A_111, %dma_start3A_129] : memref<4x2048x2048xf32, #tpu.memory_space<hbm>> -> memref<1x8x2048xf32, #tpu.memory_space<hbm>>
        %dma_start3A_131 = tpu.memref_squeeze %dma_start3A_130 : memref<1x8x2048xf32, #tpu.memory_space<hbm>> -> memref<8x2048xf32, #tpu.memory_space<hbm>>
        %dma_start3A_132 = arith.constant 0 : i32
        %dma_start3A_133 = tpu.memref_slice %arg4[%select_n3A, %add3A_111, %dma_start3A_132] : memref<4x2048x2048xf32, #tpu.memory_space<hbm>> -> memref<1x8x2048xf32, #tpu.memory_space<hbm>>
        %dma_start3A_134 = tpu.memref_squeeze %dma_start3A_133 : memref<1x8x2048xf32, #tpu.memory_space<hbm>> -> memref<8x2048xf32, #tpu.memory_space<hbm>>
        tpu.enqueue_dma source(%arg11 : memref<8x2048xf32, #tpu.memory_space<vmem>>) target(%dma_start3A_134 : memref<8x2048xf32, #tpu.memory_space<hbm>>) target_semaphore(%arg17 : memref<!tpu.dma_semaphore, #tpu.memory_space<semaphore_mem>>)
        %add3A_135 = arith.constant 3 : i32
        %add3A_136 = arith.addi %add3A_108, %add3A_135 : i32
        %lt3A_137 = arith.constant 32 : i32
        %lt3A_138 = arith.cmpi slt, %add3A_136, %lt3A_137 : i32
        %convert_element_type3A_139 = arith.extui %lt3A_138 : i1 to i32
        %cond3A_140 = arith.constant 0 : i32
        %cond3A_141 = arith.cmpi ne, %convert_element_type3A_139, %cond3A_140 : i32
        scf.if %cond3A_141 {
          %add3A_142 = arith.constant 24 : i32
          %add3A_143 = arith.addi %add3A_111, %add3A_142 : i32
          %dma_start3A_144 = arith.constant 0 : i32
          %dma_start3A_145 = tpu.memref_slice %arg2[%select_n3A, %add3A_143, %dma_start3A_144] : memref<4x2048x2048xf32, #tpu.memory_space<hbm>> -> memref<1x8x2048xf32, #tpu.memory_space<hbm>>
          %dma_start3A_146 = tpu.memref_squeeze %dma_start3A_145 : memref<1x8x2048xf32, #tpu.memory_space<hbm>> -> memref<8x2048xf32, #tpu.memory_space<hbm>>
          %dma_start3A_147 = arith.constant 0 : i32
          %dma_start3A_148 = tpu.memref_slice %arg2[%select_n3A, %add3A_143, %dma_start3A_147] : memref<4x2048x2048xf32, #tpu.memory_space<hbm>> -> memref<1x8x2048xf32, #tpu.memory_space<hbm>>
          %dma_start3A_149 = tpu.memref_squeeze %dma_start3A_148 : memref<1x8x2048xf32, #tpu.memory_space<hbm>> -> memref<8x2048xf32, #tpu.memory_space<hbm>>
          tpu.enqueue_dma source(%dma_start3A_149 : memref<8x2048xf32, #tpu.memory_space<hbm>>) target(%arg8 : memref<8x2048xf32, #tpu.memory_space<vmem>>) target_semaphore(%arg14 : memref<!tpu.dma_semaphore, #tpu.memory_space<semaphore_mem>>)
        } else {
        }
      } else {
      }
    }
    %scan3A_58 = arith.constant 11 : i32
    %add3A_59 = arith.constant 240 : i32
    %add3A_60 = arith.addi %select_n3A_32, %add3A_59 : i32
    %dma_wait3A = arith.constant 0 : i32
    %dma_wait3A_61 = tpu.memref_slice %arg4[%select_n3A, %add3A_60, %dma_wait3A] : memref<4x2048x2048xf32, #tpu.memory_space<hbm>> -> memref<1x8x2048xf32, #tpu.memory_space<hbm>>
    %dma_wait3A_62 = tpu.memref_squeeze %dma_wait3A_61 : memref<1x8x2048xf32, #tpu.memory_space<hbm>> -> memref<8x2048xf32, #tpu.memory_space<hbm>>
    %dma_wait3A_63 = arith.constant 0 : i32
    %dma_wait3A_64 = tpu.memref_slice %arg4[%select_n3A, %add3A_60, %dma_wait3A_63] : memref<4x2048x2048xf32, #tpu.memory_space<hbm>> -> memref<1x8x2048xf32, #tpu.memory_space<hbm>>
    %dma_wait3A_65 = tpu.memref_squeeze %dma_wait3A_64 : memref<1x8x2048xf32, #tpu.memory_space<hbm>> -> memref<8x2048xf32, #tpu.memory_space<hbm>>
    tpu.wait_dma2 semaphore(%arg15 : memref<!tpu.dma_semaphore, #tpu.memory_space<semaphore_mem>>) src(%arg9 : memref<8x2048xf32, #tpu.memory_space<vmem>>) dst(%dma_wait3A_65 : memref<8x2048xf32, #tpu.memory_space<hbm>>)
    %add3A_66 = arith.constant 248 : i32
    %add3A_67 = arith.addi %select_n3A_32, %add3A_66 : i32
    %dma_wait3A_68 = arith.constant 0 : i32
    %dma_wait3A_69 = tpu.memref_slice %arg4[%select_n3A, %add3A_67, %dma_wait3A_68] : memref<4x2048x2048xf32, #tpu.memory_space<hbm>> -> memref<1x8x2048xf32, #tpu.memory_space<hbm>>
    %dma_wait3A_70 = tpu.memref_squeeze %dma_wait3A_69 : memref<1x8x2048xf32, #tpu.memory_space<hbm>> -> memref<8x2048xf32, #tpu.memory_space<hbm>>
    %dma_wait3A_71 = arith.constant 0 : i32
    %dma_wait3A_72 = tpu.memref_slice %arg4[%select_n3A, %add3A_67, %dma_wait3A_71] : memref<4x2048x2048xf32, #tpu.memory_space<hbm>> -> memref<1x8x2048xf32, #tpu.memory_space<hbm>>
    %dma_wait3A_73 = tpu.memref_squeeze %dma_wait3A_72 : memref<1x8x2048xf32, #tpu.memory_space<hbm>> -> memref<8x2048xf32, #tpu.memory_space<hbm>>
    tpu.wait_dma2 semaphore(%arg16 : memref<!tpu.dma_semaphore, #tpu.memory_space<semaphore_mem>>) src(%arg10 : memref<8x2048xf32, #tpu.memory_space<vmem>>) dst(%dma_wait3A_73 : memref<8x2048xf32, #tpu.memory_space<hbm>>)
    %add3A_74 = arith.constant 232 : i32
    %add3A_75 = arith.addi %select_n3A_32, %add3A_74 : i32
    %dma_wait3A_76 = arith.constant 0 : i32
    %dma_wait3A_77 = tpu.memref_slice %arg4[%select_n3A, %add3A_75, %dma_wait3A_76] : memref<4x2048x2048xf32, #tpu.memory_space<hbm>> -> memref<1x8x2048xf32, #tpu.memory_space<hbm>>
    %dma_wait3A_78 = tpu.memref_squeeze %dma_wait3A_77 : memref<1x8x2048xf32, #tpu.memory_space<hbm>> -> memref<8x2048xf32, #tpu.memory_space<hbm>>
    %dma_wait3A_79 = arith.constant 0 : i32
    %dma_wait3A_80 = tpu.memref_slice %arg4[%select_n3A, %add3A_75, %dma_wait3A_79] : memref<4x2048x2048xf32, #tpu.memory_space<hbm>> -> memref<1x8x2048xf32, #tpu.memory_space<hbm>>
    %dma_wait3A_81 = tpu.memref_squeeze %dma_wait3A_80 : memref<1x8x2048xf32, #tpu.memory_space<hbm>> -> memref<8x2048xf32, #tpu.memory_space<hbm>>
    tpu.wait_dma2 semaphore(%arg17 : memref<!tpu.dma_semaphore, #tpu.memory_space<semaphore_mem>>) src(%arg11 : memref<8x2048xf32, #tpu.memory_space<vmem>>) dst(%dma_wait3A_81 : memref<8x2048xf32, #tpu.memory_space<hbm>>)
    return
  }
}

</mosaic_0001>

<sc_bundles>
// kernel: kernel.3.cloned.1.call-start
scs
__scs_entry_jumppad:
0x0: {  	(pc) =	sbr.rel $0x88, $3  }
0x1: {  	(tag) =	ssettag $0x0;
	lr =	simm.s32 $0x1  }
0x2: {  	[smem:$0x3F9F] =	sst lr;
	_ =	strace $0xD0000000  }
0x3: {  	_ = 	snop  }
0x4: {  	_ = 	snop  }
0x5: {  	_ = 	snop  }
0x6: {  	_ = 	snop  }
0x7: {  	_ = 	snop  }
__scs_overlays_trampoline_lowered:
0x8: {  	[smem:$0x3FAE] =	sst s0  }
0x9: {  	[smem:$0x3FAF] =	sst s1  }
0xa: {  	[smem:$0x3FB0] =	sst s2  }
0xb: {  	[smem:$0x3FB1] =	sst s3  }
0xc: {  	[smem:$0x3FB2] =	sst s4  }
0xd: {  	[smem:$0x3FB3] =	sst s5  }
0xe: {  	[smem:$0x3FB4] =	sst s6  }
0xf: {  	[smem:$0x3FB5] =	sst s7  }
0x10: {  	[smem:$0x3FB6] =	sst s8  }
0x11: {  	[smem:$0x3FB7] =	sst s9;
	s0 =	simm.s32 @!p0 $0x0  }
0x12: {  	s1 =	sld [smem:$0x3F9D];
	s0 =	simm.s32 @p0 $0x1  }
0x13: {  	[smem:$0x3FB8] =	sst s0;
	s0 =	simm.s32 @!p1 $0x0  }
0x14: {  	s2 =	sld [smem:$0x3F9C];
	s0 =	simm.s32 @p1 $0x1  }
0x15: {  	[smem:$0x3FB9] =	sst s0;
	s0 =	simm.s32 @!p2 $0x0  }
0x16: {  	s3 =	sld [smem:$0x3FDB];
	s0 =	simm.s32 @p2 $0x1  }
0x17: {  	s4 =	simm.s32 $0x1BF5;
	[smem:$0x3FBB] =	sst s0  }
0x18: {  	s0 =	sld [smem:$0x3F9E];
	_ =	swait.ge [sflag:s4], $0x0  }
0x19: {  	s7 =	sld [smem:$0x3F9F]  }
0x1a: {  	s8 =	sadd.s32 $0xFFFFE003, lr  }
0x1b: {  	s9 =	sadd.s32 $0xFFFFFEF7, lr;
	s5 =	simm.s32 $0xFFFFFFFF;
	p2 =	slt.u32 s8, $0xFFFFF086  }
0x1c: {  	p1 =	slt.u32 s9, $0xF7A;
	s5 =	simm.s32 @!p2 $0x0  }
0x1d: {  	s5 =	simm.s32 @p1 $0x1;
	p0 =	seq.s32 s7, s2  }
0x1e: {  	s7 =	smul.u32 @!p0 $0xF7A, s2;
	p2 =	seq.s32 @!p0 s5, $0x0  }
0x1f: {  	s9 =	smul.u32 $0xF7A, s1;
	s8 =	simm.s32 @!p0 $0x1BF5;
	p2 =	por !p2, p0  }
0x20: {  	[sflag:s8] =	ssyncset.s32 @!p0 $0xFFFFF086;
	s6 =	sadd.s32 @!p0 s3, s7;
	s7 =	simm.s32 @!p0 $0x108  }
0x21: {  	s3 =	sadd.s32 s3, s9;
	s6 =	sadd.s32 @!p0 $0x88, s6;
	s7 =	simm.s32 @p2 $0x1082  }
0x22: {  	[simem:s7], [sflag:s8] =	dma.local @!p0 [hbm:s6], $0xF7A  }
0x23: {  	s9 =	sor.u32 $0xD0000000, s2;
	s6 =	simm.s32 $0x108;
	_ =	swait.ge @!p0 [sflag:s8], $0x0  }
0x24: {  	s3 =	sadd.s32 $0x88, s3;
	s6 =	simm.s32 @!p1 $0x1082;
	[sflag:s4] =	ssyncset.s32 $0xFFFFF086  }
0x25: {  	[simem:s6], [sflag:s4] =	dma.local [hbm:s3], $0xF7A  }
0x26: {  	[smem:$0x3F9F] =	sst s1;
	(tag) =	ssettag s2;
	_ =	strace s9  }
0x27: {  	s1 =	sld [smem:$0x3FAF]  }
0x28: {  	s2 =	sld [smem:$0x3FB0]  }
0x29: {  	s4 =	sld [smem:$0x3FB2]  }
0x2a: {  	p0 =	seq.s32 s5, $0x0;
	s5 =	sld [smem:$0x3FB3]  }
0x2b: {  	s6 =	sld [smem:$0x3FB4]  }
0x2c: {  	s7 =	sld [smem:$0x3FB5]  }
0x2d: {  	s3 =	simm.s32 $0x108;
	s8 =	sld [smem:$0x3FB6]  }
0x2e: {  	s3 =	simm.s32 @!p0 $0x1082;
	s9 =	sld [smem:$0x3FB7]  }
0x2f: {  	lr =	sadd.s32 s0, s3;
	s0 =	sld [smem:$0x3FAE]  }
0x30: {  	s3 =	sld [smem:$0x3FB1]  }
0x31: {  	[smem:$0x3FBA] =	sst s10  }
0x32: {  	s10 =	sld [smem:$0x3FB8];
	_ =	sdelay $0x3  }
0x33: {  	p0 =	seq.s32 s10, $0x1;
	s10 =	sld [smem:$0x3FBA];
	_ =	sdelay $0x3  }
0x34: {  	[smem:$0x3FBA] =	sst s10  }
0x35: {  	s10 =	sld [smem:$0x3FB9];
	_ =	sdelay $0x3  }
0x36: {  	p1 =	seq.s32 s10, $0x1;
	s10 =	sld [smem:$0x3FBA];
	_ =	sdelay $0x3  }
0x37: {  	[smem:$0x3FBA] =	sst s10  }
0x38: {  	s10 =	sld [smem:$0x3FBB]  }
0x39: {  	_ = 	snop;
	(pc) =	sbr.ind lr, $3  }
0x3a: {  	_ = 	snop  }
0x3b: {  	_ = 	snop  }
0x3c: {  	p2 =	seq.s32 s10, $0x1;
	s10 =	sld [smem:$0x3FBA]  }
0x3d: {  	_ =	shalt  }
0x3e: {  	_ =	shalt  }
0x3f: {  	_ =	shalt  }
0x40: {  	_ =	shalt  }
0x41: {  	_ =	shalt  }
0x42: {  	_ =	shalt  }
0x43: {  	_ =	shalt  }
0x44: {  	_ =	shalt  }
0x45: {  	_ =	shalt  }
0x46: {  	_ =	shalt  }
0x47: {  	_ =	shalt  }
0x48: {  	_ =	shalt  }
0x49: {  	_ =	shalt  }
0x4a: {  	_ =	shalt  }
0x4b: {  	_ =	shalt  }
0x4c: {  	_ =	shalt  }
0x4d: {  	_ =	shalt  }
0x4e: {  	_ =	shalt  }
0x4f: {  	_ =	shalt  }
0x50: {  	_ =	shalt  }
0x51: {  	_ =	shalt  }
0x52: {  	_ =	shalt  }
0x53: {  	_ =	shalt  }
0x54: {  	_ =	shalt  }
0x55: {  	_ =	shalt  }
0x56: {  	_ =	shalt  }
0x57: {  	_ =	shalt  }
0x58: {  	_ =	shalt  }
0x59: {  	_ =	shalt  }
0x5a: {  	_ =	shalt  }
0x5b: {  	_ =	shalt  }
0x5c: {  	_ =	shalt  }
0x5d: {  	_ =	shalt  }
0x5e: {  	_ =	shalt  }
0x5f: {  	_ =	shalt  }
0x60: {  	_ =	shalt  }
0x61: {  	_ =	shalt  }
0x62: {  	_ =	shalt  }
0x63: {  	_ =	shalt  }
0x64: {  	_ =	shalt  }
0x65: {  	_ =	shalt  }
0x66: {  	_ =	shalt  }
0x67: {  	_ =	shalt  }
0x68: {  	_ =	shalt  }
0x69: {  	_ =	shalt  }
0x6a: {  	_ =	shalt  }
0x6b: {  	_ =	shalt  }
0x6c: {  	_ =	shalt  }
0x6d: {  	_ =	shalt  }
0x6e: {  	_ =	shalt  }
0x6f: {  	_ =	shalt  }
0x70: {  	_ =	shalt  }
0x71: {  	_ =	shalt  }
0x72: {  	_ =	shalt  }
0x73: {  	_ =	shalt  }
0x74: {  	_ =	shalt  }
0x75: {  	_ =	shalt  }
0x76: {  	_ =	shalt  }
0x77: {  	_ =	shalt  }
0x78: {  	_ =	shalt  }
0x79: {  	_ =	shalt  }
0x7a: {  	_ =	shalt  }
0x7b: {  	_ =	shalt  }
0x7c: {  	_ =	shalt  }
0x7d: {  	_ =	shalt  }
0x7e: {  	_ =	shalt  }
0x7f: {  	_ =	shalt  }
0x80: {  	_ =	shalt  }
0x81: {  	_ =	shalt  }
0x82: {  	_ =	shalt  }
0x83: {  	_ =	shalt  }
0x84: {  	_ =	shalt  }
0x85: {  	_ =	shalt  }
0x86: {  	_ =	shalt  }
0x87: {  	_ =	shalt  }
.Lfunc_end0:
.L_simem_size_0:
called_computation_lowered:
.L_overlay_start_0:
0x88: {  	s2 =	sld [smem:$0x3FD9]  }
0x89: {  	s3 =	sld [smem:$0x3FFE];
	_ =	sdelay $0x1  }
0x8a: {  	s1 =	srdreg.scid  }
0x8b: {  	s0 =	sand.u32 $0x1, s1  }
0x8c: {  	s15 =	sshll.u32 s0, $0xA;
	s2 =	sadd.s32 s3, s2  }
0x8d: {  	s2 =	sadd.s32 s2, s15  }
0x8e: {  	[smem:$0x3FC6] =	sst s2  }
0x8f: {  	_ = 	snop  }
0x90: {  	s2 =	sld [smem:$0x3FD0];
	_ =	sdelay $0x1  }
0x91: {  	s16 =	sld [smem:$0x3FC9]  }
0x92: {  	s5 =	simm.s32 $0xA;
	s6 =	simm.s32 $0x10;
	s4 =	sld [smem:$0x3FC8]  }
0x93: {  	[smem:s6], [sflag:s5] =	dma.local [hbm:s2], $0x1  }
0x94: {  	_ =	swait.eq [sflag:s5], $0x1  }
0x95: {  	[sflag:s5] =	ssyncset.done $0x0  }
0x96: {  	[sflag:s5] =	ssyncadd.s32 $0xFFFFFFFF  }
0x97: {  	s17 =	sld [smem:$0x10];
	(tm) =	ssettm $0x1  }
0x98: {  	s18 =	sld [smem:$0x3FFB];
	_ =	sdelay $0x3  }
0x99: {  	_ =	strace s18  }
0x9a: {  	s5 =	sld [smem:$0x3FFC];
	_ =	sdelay $0x3  }
0x9b: {  	_ =	strace s5  }
0x9c: {  	s5 =	sld [smem:$0x3FFD];
	_ =	sdelay $0x3  }
0x9d: {  	_ =	strace s5  }
0x9e: {  	_ =	strace $0x8FFFFFFF  }
0x9f: {  	s19 =	sld [smem:$0x3FDB];
	_ =	sdelay $0x1  }
0xa0: {  	s20 =	simm.s32 $_scs_section_size  }
0xa1: {  	s7 =	simm.s32 $_size__tile_overlayer_lowered;
	s8 =	simm.s32 $_tile_overlayer_lowered  }
0xa2: {  	s23 =	simm.s32 $0x1BFF;
	s22 =	sshll.u32 s8, $0x1;
	s5 =	sadd.s32 s20, s19  }
0xa3: {  	s9 =	simm.s32 $0x0;
	s21 =	sshll.u32 s7, $0x1;
	s7 =	sadd.s32 s22, s5  }
0xa4: {  	[timem:s9], [sflag:s23] =	dma.local [hbm:s7], s21  }
0xa5: {  	_ =	swait.ge [sflag:s23], s21  }
0xa6: {  	s6 =	ssub.s32 $0x0, s21;
	[sflag:s23] =	ssyncset.done $0x0  }
0xa7: {  	[sflag:s23] =	ssyncadd.s32 s6;
	_ =	sdelay $0x1  }
0xa8: {  	s24 =	simm.s32 $0x1B8B  }
0xa9: {  	_ =	swait.ge [sflag:s24], $0x1  }
0xaa: {  	[sflag:s24] =	ssyncset.done $0x0  }
0xab: {  	s25 =	simm.s32 $0x1B8E;
	[sflag:s24] =	ssyncadd.s32 $0xFFFFFFFF  }
0xac: {  	s26 =	simm.s32 $execute0_lowered;
	[smem:$0x3FD2] =	sst s25  }
0xad: {  	s6 =	sshll.u32 s26, $0x1;
	_ =	strace $0x80000046;
	[dreg:$0x1] =	wrdreg $0xFFFFFFFF  }
0xae: {  	s28 =	simm.s32 $_size_execute0_lowered;
	s5 =	sadd.s32 s5, s6;
	[dreg:$0x0] =	wrdreg $0x0  }
0xaf: {  	s6 =	sshll.u32 s28, $0x1;
	[dreg:$0x2] =	wrdreg s5  }
0xb0: {  	[dreg:$0x3] =	wrdreg s6  }
0xb1: {  	[dreg:$0x4] =	wrdreg $0xC0  }
0xb2: {  	_ =	task [dreg:s9], $0x5FFFF  }
0xb3: {  	[dreg:$0x1] =	wrdreg $0xFFFFFFFF  }
0xb4: {  	[dreg:$0x0] =	wrdreg $0x60  }
0xb5: {  	[dreg:$0x2] =	wrdreg s16  }
0xb6: {  	[dreg:$0x3] =	wrdreg s4  }
0xb7: {  	[dreg:$0x4] =	wrdreg s17  }
0xb8: {  	[dreg:$0x5] =	wrdreg $0x9  }
0xb9: {  	_ =	task.clear_ibuf [dreg:s9], $0x6FFFF;
	_ =	strace $0x90000046  }
0xba: {  	s29 =	simm.s32 $0x9;
	_ =	strace $0x80000048  }
0xbb: {  	_ =	swait.ge [sflag:s29], $0x1  }
0xbc: {  	[sflag:s29] =	ssyncadd.s32 $0xFFFFFFFF  }
0xbd: {  	_ =	strace $0x90000048  }
0xbe: {  	_ =	sfence  }
0xbf: {  	s30 =	sld [smem:$0x0];
	_ =	sdelay $0x2  }
0xc0: {  	s31 =	sshll.u32 s1, $0xD;
	s1 =	sshrl.u32 s1, $0x2  }
0xc1: {  	s3 =	sand.u32 $0x4000, s31;
	s1 =	sadd.s32 s1, s30  }
0xc2: {  	s0 =	sor.u32 s3, s0;
	s1 =	sshll.u32 s1, $0x11  }
0xc3: {  	s0 =	sor.u32 s1, s0  }
0xc4: {  	s0 =	sadd.s32 $0x8F2B, s0  }
0xc5: {  	[sflag:s0] =	ssyncadd.remote.s32 $0x1  }
0xc6: {  	_ =	sfence.sel $0xFFFF  }
0xc7: {  	[dreg:$0x0] =	wrdreg $0xFFFFFFFF;
	(pc) =	sbr.abs _section_cstart, $3  }
0xc8: {  	[dreg:$0x1] =	wrdreg $0xFFFFFFFF  }
0xc9: {  	_ =	task.clear_ibuf [dreg:s9], $0x2FFFF;
	_ =	strace $0x9FFFFFFF  }
0xca: {  	(tm) =	ssettm $0x7FFFFFFF  }
0xcb: {  	_ =	shalt  }
tec
execute0_lowered:
.L_overlay_start_1:
0x0: {  	(tag) =	ssettag $0x1  }
0x1: {  	s0 =	srdreg.scid;
	s5 =	stileid.u32  }
0x2: {  	s1 =	rddreg [dreg:$0x0];
	s7 =	simm.s32 $0x0;
	s15 =	simm.s32 $0x800  }
0x3: {  	s16 =	simm.s32 $0x4800;
	s17 =	simm.s32 $0x8800;
	s18 =	simm.s32 $0x7  }
0x4: {  	s19 =	simm.s32 $0x1;
	s20 =	simm.s32 $0xC800;
	s21 =	simm.s32 $0x2  }
0x5: {  	s22 =	simm.s32 $0x10800;
	s23 =	simm.s32 $0x4;
	s24 =	simm.s32 $0x5  }
0x6: {  	s28 =	simm.s32 $0x14800;
	s0 =	sand.u32 $0x1, s0;
	s2 =	sshll.u32 s5, $0x9  }
0x7: {  	s29 =	simm.s32 $0x0;
	s3 =	sshll.u32 s0, $0x8;
	s2 =	sand.u32 $0x600, s2  }
0x8: {  	s25 =	sshll.u32 s5, $0x14;
	s5 =	rddreg [dreg:$0x2];
	s4 =	sor.u32 s3, s2  }
0x9: {  	[smem:$0x7FF] =	sst s7;
	s6 =	sand.u32 $0xC00000, s25;
	s26 =	sshll.u32 s4, $0xB  }
0xa: {  	s0 =	ssub.s32 $0x2, s0;
	_ =	strace $0x80000047;
	s2 =	sor.u32 s6, s26  }
.Ltmp0:
0xb: {  	s25 =	simm.s32 $0x6;
	s2 =	sshrl.u32 s2, $0x3;
	(pc) =	sbr.rel .LBB2_1-.Ltmp0, $4  }
0xc: {  	s30 =	sshrl.u32 s0, $0x1;
	s11 =	sor.u32 $0xC000, s6;
	s8 =	sadd.s32 s1, s2  }
0xd: {  	s0 =	ssub.s32 s0, s30;
	s12 =	sor.u32 $0x8, s4;
	s2 =	sadd.s32 $0x800, s8  }
0xe: {  	s13 =	sor.u32 $0x10, s4;
	s31 =	sadd.s32 $0x1000, s8;
	[dreg:$0x4] =	wrdreg s2  }
0xf: {  	s14 =	smax.u32 s0, $0x1;
	s26 =	simm.s32 $0x3;
	[dreg:$0x5] =	wrdreg s31  }
.LBB2_10:
0x10: {  	_ =	swait.ge [sflag:s23], $0x4000  }
0x11: {  	[sflag:s23] =	ssyncset.done $0x0  }
0x12: {  	s29 =	sadd.s32 $0x1, s29;
	[sflag:s23] =	ssyncadd.s32 $0xFFFFC000  }
0x13: {  	p0 =	sne.s32 s29, s14;
	_ =	swait.ge [sflag:s24], $0x4000  }
.Ltmp1:
0x14: {  	[sflag:s24] =	ssyncset.done $0x0;
	(pc) =	sbr.rel @!p0 .LBB2_11-.Ltmp1, $4  }
0x15: {  	[sflag:s24] =	ssyncadd.s32 $0xFFFFC000  }
0x16: {  	_ =	swait.ge [sflag:s25], $0x4000  }
0x17: {  	[sflag:s25] =	ssyncset.done $0x0  }
0x18: {  	[sflag:s25] =	ssyncadd.s32 $0xFFFFC000  }
.LBB2_1:
0x19: {  	[tilespmem:s15], [sflag:$0x1] =	stream.linear.gather [hbm4b:s8+s7], $0x4000, $0x38;
	[tilespmem:$0x18800] =	vst v63  }
0x1a: {  	s0 =	rddreg [dreg:$0x4]  }
0x1b: {  	[tilespmem:s16], [sflag:$0x2] =	stream.linear.gather [hbm4b:s0+s7], $0x4000, $0x38;
	[tilespmem:$0x18800] =	vst v63  }
0x1c: {  	s10 =	rddreg [dreg:$0x5]  }
0x1d: {  	[tilespmem:s17], [sflag:$0x3] =	stream.linear.gather [hbm4b:s10+s7], $0x4000, $0x38;
	[tilespmem:$0x18800] =	vst v63  }
0x1e: {  	s31 =	rddreg [dreg:$0x1]  }
0x1f: {  	[tilespmem:s7], [sflag:$0x7] =	stream.linear.gather [hbm4b:s31+s7], $0x800, $0x38;
	[tilespmem:$0x18800] =	vst v63  }
0x20: {  	_ =	swait.ge [sflag:s18], $0x800  }
0x21: {  	[sflag:s18] =	ssyncset.done $0x0  }
0x22: {  	s30 =	simm.s32 $0x0;
	[sflag:s18] =	ssyncadd.s32 $0xFFFFF800  }
.LBB2_2:
0x23: {  	_ =	swait.ge [sflag:s19], $0x4000  }
0x24: {  	p0 =	seq.s32 s30, $0x0;
	[sflag:s19] =	ssyncset.done $0x0  }
0x25: {  	s0 =	simm.s32 @!p0 $0x4;
	[sflag:s19] =	ssyncadd.s32 $0xFFFFC000  }
0x26: {  	_ =	swait.ge @!p0 [sflag:s0], $0x4000  }
0x27: {  	[sflag:s0] =	ssyncset.done @!p0 $0x0  }
0x28: {  	s10 =	simm.s32 $0x40;
	[sflag:s0] =	ssyncadd.s32 @!p0 $0xFFFFC000  }
0x29: {  	v0 =	vld [tilespmem:s10+$0x30]  }
0x2a: {  	v1 =	vld [tilespmem:s10+$0xFFFFFFD0]  }
0x2b: {  	v6 =	vld [tilespmem:s10+$0xFFFFFFF0]  }
0x2c: {  	v3 =	vld [tilespmem:s10+$0xFFFFFFE0]  }
0x2d: {  	v5 =	vld [tilespmem:s10+$0xFFFFFFC0]  }
0x2e: {  	v2 =	vshll.u32 v0, $0x3  }
0x2f: {  	v0 =	vand.u32 $0x7F, v0;
	v2 =	vand.u32 $0xFFFFFC00, v2  }
0x30: {  	v13 =	vshll.u32 v6, $0x3;
	v4 =	vor.u32 v0, v2;
	v0 =	vshll.u32 v1, $0x3  }
0x31: {  	v6 =	vand.u32 $0x7F, v6;
	v2 =	vand.u32 $0xFFFFFC00, v0;
	v0 =	vshll.u32 v3, $0x3  }
0x32: {  	v8 =	vld [tilespmem:s10+$0x10];
	v1 =	vand.u32 $0x7F, v1;
	v9 =	vand.u32 $0xFFFFFC00, v0;
	v0 =	vshll.u32 v5, $0x3  }
0x33: {  	v7 =	vld [tilespmem:s10+$0x0];
	v5 =	vand.u32 $0x7F, v5;
	v2 =	vor.u32 v1, v2;
	v0 =	vand.u32 $0xFFFFFC00, v0  }
0x34: {  	v3 =	vand.u32 $0x7F, v3;
	v0 =	vor.u32 v5, v0;
	v5 =	vand.u32 $0xFFFFFC00, v13  }
0x35: {  	v1 =	vor.u32 v3, v9;
	v10 =	vld.idx.msk [tilespmem:v4+s15+$0x0], $0xffff;
	v3 =	vor.u32 v6, v5  }
0x36: {  	v12 =	vld [tilespmem:s10+$0x20];
	v11 =	vor.u32 $0x80, v4  }
0x37: {  	v9 =	vshll.u32 v8, $0x3  }
0x38: {  	v13 =	vshll.u32 v7, $0x3;
	v5 =	vand.u32 $0xFFFFFC00, v9;
	v9 =	vld.idx.msk [tilespmem:v2+s15+$0x0], $0xffff  }
0x39: {  	s2 =	simm.s32 $0xCA00;
	v15 =	vor.u32 $0x80, v2;
	v7 =	vand.u32 $0x7F, v7;
	v13 =	vand.u32 $0xFFFFFC00, v13  }
0x3a: {  	v6 =	vand.u32 $0x7F, v8;
	[tilespmem:s2+$0xFFFFFE70] =	vst v10;
	v10 =	vor.u32 v7, v13;
	v14 =	vld.idx.msk [tilespmem:v3+s15+$0x0], $0xffff  }
0x3b: {  	v8 =	vshll.u32 v12, $0x3;
	v7 =	vld.idx.msk [tilespmem:v11+s15+$0x0], $0xffff;
	v11 =	vor.u32 v6, v5  }
0x3c: {  	v13 =	vor.u32 $0x100, v4;
	v5 =	vld.idx.msk [tilespmem:v0+s15+$0x0], $0xffff;
	v6 =	vand.u32 $0xFFFFFC00, v8;
	v8 =	vand.u32 $0x7F, v12  }
0x3d: {  	v12 =	vor.u32 v8, v6;
	v6 =	vld.idx.msk [tilespmem:v1+s15+$0x0], $0xffff;
	v8 =	vor.u32 $0x80, v0;
	[tilespmem:s2+$0xFFFFFE10] =	vst v9  }
0x3e: {  	v15 =	vld.idx.msk [tilespmem:v15+s15+$0x0], $0xffff  }
0x3f: {  	v17 =	vor.u32 $0x80, v1;
	v16 =	vld.idx.msk [tilespmem:v10+s15+$0x0], $0xffff  }
0x40: {  	v18 =	vld.idx.msk [tilespmem:v11+s15+$0x0], $0xffff;
	[tilespmem:s2+$0xFFFFFEF0] =	vst v7;
	v7 =	vor.u32 $0x80, v3  }
0x41: {  	[tilespmem:s2+$0xFFFFFE00] =	vst v5;
	v5 =	vld.idx.msk [tilespmem:v13+s15+$0x0], $0xffff;
	v13 =	vor.u32 $0x80, v10  }
0x42: {  	v19 =	vor.u32 $0x80, v11;
	[tilespmem:s2+$0xFFFFFE30] =	vst v14;
	v8 =	vld.idx.msk [tilespmem:v8+s15+$0x0], $0xffff  }
0x43: {  	v9 =	vld.idx.msk [tilespmem:v12+s15+$0x0], $0xffff;
	[tilespmem:s2+$0xFFFFFE20] =	vst v6;
	v6 =	vor.u32 $0x180, v4  }
0x44: {  	v14 =	vor.u32 $0x80, v12;
	v17 =	vld.idx.msk [tilespmem:v17+s15+$0x0], $0xffff;
	[tilespmem:s2+$0xFFFFFE40] =	vst v16  }
0x45: {  	v16 =	vor.u32 $0x100, v0;
	v7 =	vld.idx.msk [tilespmem:v7+s15+$0x0], $0xffff;
	[tilespmem:s2+$0xFFFFFE50] =	vst v18  }
0x46: {  	v18 =	vor.u32 $0x100, v2;
	v13 =	vld.idx.msk [tilespmem:v13+s15+$0x0], $0xffff;
	[tilespmem:s2+$0xFFFFFF70] =	vst v5  }
0x47: {  	v5 =	vor.u32 $0x100, v1;
	[tilespmem:s2+$0xFFFFFE80] =	vst v8;
	v8 =	vld.idx.msk [tilespmem:v19+s15+$0x0], $0xffff  }
0x48: {  	[tilespmem:s2+$0xFFFFFE60] =	vst v9;
	v9 =	vor.u32 $0x100, v3;
	v6 =	vld.idx.msk [tilespmem:v6+s15+$0x0], $0xffff  }
0x49: {  	[tilespmem:s2+$0xFFFFFE90] =	vst v15;
	v19 =	vor.u32 $0x100, v10;
	v14 =	vld.idx.msk [tilespmem:v14+s15+$0x0], $0xffff  }
0x4a: {  	[tilespmem:s2+$0xFFFFFEA0] =	vst v17;
	v17 =	vor.u32 $0x100, v11;
	v16 =	vld.idx.msk [tilespmem:v16+s15+$0x0], $0xffff  }
0x4b: {  	v15 =	vor.u32 $0x200, v4;
	v18 =	vld.idx.msk [tilespmem:v18+s15+$0x0], $0xffff;
	[tilespmem:s2+$0xFFFFFEB0] =	vst v7  }
0x4c: {  	v7 =	vor.u32 $0x100, v12;
	v5 =	vld.idx.msk [tilespmem:v5+s15+$0x0], $0xffff;
	[tilespmem:s2+$0xFFFFFEC0] =	vst v13  }
0x4d: {  	v13 =	vor.u32 $0x180, v0;
	v9 =	vld.idx.msk [tilespmem:v9+s15+$0x0], $0xffff;
	[tilespmem:s2+$0xFFFFFED0] =	vst v8  }
0x4e: {  	[tilespmem:s2+$0xFFFFFFF0] =	vst v6;
	v6 =	vor.u32 $0x180, v2;
	v19 =	vld.idx.msk [tilespmem:v19+s15+$0x0], $0xffff  }
0x4f: {  	[tilespmem:s2+$0xFFFFFEE0] =	vst v14;
	v14 =	vld.idx.msk [tilespmem:v17+s15+$0x0], $0xffff;
	v17 =	vor.u32 $0x180, v3  }
0x50: {  	v8 =	vld.idx.msk [tilespmem:v15+s15+$0x0], $0xffff;
	v15 =	vor.u32 $0x180, v1;
	[tilespmem:s2+$0xFFFFFF00] =	vst v16  }
0x51: {  	v16 =	vor.u32 $0x280, v4;
	[tilespmem:s2+$0xFFFFFF10] =	vst v18;
	v7 =	vld.idx.msk [tilespmem:v7+s15+$0x0], $0xffff  }
0x52: {  	v18 =	vor.u32 $0x180, v10;
	v13 =	vld.idx.msk [tilespmem:v13+s15+$0x0], $0xffff;
	[tilespmem:s2+$0xFFFFFF20] =	vst v5  }
0x53: {  	v5 =	vor.u32 $0x180, v11;
	[tilespmem:s2+$0xFFFFFF30] =	vst v9;
	v6 =	vld.idx.msk [tilespmem:v6+s15+$0x0], $0xffff  }
0x54: {  	v9 =	vor.u32 $0x180, v12;
	[tilespmem:s2+$0xFFFFFF40] =	vst v19;
	v17 =	vld.idx.msk [tilespmem:v17+s15+$0x0], $0xffff  }
0x55: {  	v15 =	vld.idx.msk [tilespmem:v15+s15+$0x0], $0xffff;
	[tilespmem:s2+$0x70] =	vst v8;
	v8 =	vor.u32 $0x200, v0  }
0x56: {  	v19 =	vor.u32 $0x200, v2;
	[tilespmem:s2+$0xFFFFFF50] =	vst v14;
	v16 =	vld.idx.msk [tilespmem:v16+s15+$0x0], $0xffff  }
0x57: {  	v14 =	vld.idx.msk [tilespmem:v18+s15+$0x0], $0xffff;
	[tilespmem:s2+$0xFFFFFF60] =	vst v7;
	v7 =	vor.u32 $0x300, v4  }
0x58: {  	v18 =	vor.u32 $0x200, v1;
	[tilespmem:s2+$0xFFFFFF80] =	vst v13;
	v5 =	vld.idx.msk [tilespmem:v5+s15+$0x0], $0xffff  }
0x59: {  	v13 =	vor.u32 $0x200, v3;
	[tilespmem:s2+$0xFFFFFF90] =	vst v6;
	v6 =	vld.idx.msk [tilespmem:v9+s15+$0x0], $0xffff  }
0x5a: {  	v9 =	vor.u32 $0x200, v10;
	v8 =	vld.idx.msk [tilespmem:v8+s15+$0x0], $0xffff;
	[tilespmem:s2+$0xFFFFFFA0] =	vst v15  }
0x5b: {  	v15 =	vor.u32 $0x200, v11;
	v19 =	vld.idx.msk [tilespmem:v19+s15+$0x0], $0xffff;
	[tilespmem:s2+$0xF0] =	vst v16  }
0x5c: {  	[tilespmem:s2+$0xFFFFFFB0] =	vst v17;
	v16 =	vor.u32 $0x200, v12;
	v7 =	vld.idx.msk [tilespmem:v7+s15+$0x0], $0xffff  }
0x5d: {  	v17 =	vor.u32 $0x280, v0;
	v18 =	vld.idx.msk [tilespmem:v18+s15+$0x0], $0xffff;
	[tilespmem:s2+$0xFFFFFFC0] =	vst v14  }
0x5e: {  	v4 =	vor.u32 $0x380, v4;
	v13 =	vld.idx.msk [tilespmem:v13+s15+$0x0], $0xffff;
	[tilespmem:s2+$0xFFFFFFD0] =	vst v5  }
0x5f: {  	v5 =	vor.u32 $0x280, v2;
	v9 =	vld.idx.msk [tilespmem:v9+s15+$0x0], $0xffff;
	[tilespmem:s2+$0xFFFFFFE0] =	vst v6  }
0x60: {  	v6 =	vor.u32 $0x280, v1;
	[tilespmem:s2+$0x0] =	vst v8;
	v8 =	vld.idx.msk [tilespmem:v15+s15+$0x0], $0xffff  }
0x61: {  	v14 =	vor.u32 $0x280, v3;
	[tilespmem:s2+$0x10] =	vst v19;
	v15 =	vld.idx.msk [tilespmem:v16+s15+$0x0], $0xffff  }
0x62: {  	v16 =	vor.u32 $0x280, v10;
	v17 =	vld.idx.msk [tilespmem:v17+s15+$0x0], $0xffff;
	[tilespmem:s2+$0x170] =	vst v7  }
0x63: {  	v7 =	vor.u32 $0x280, v11;
	[tilespmem:s2+$0x20] =	vst v18;
	v4 =	vld.idx.msk [tilespmem:v4+s15+$0x0], $0xffff  }
0x64: {  	v18 =	vor.u32 $0x280, v12;
	v5 =	vld.idx.msk [tilespmem:v5+s15+$0x0], $0xffff;
	[tilespmem:s2+$0x30] =	vst v13  }
0x65: {  	v13 =	vor.u32 $0x300, v0;
	v6 =	vld.idx.msk [tilespmem:v6+s15+$0x0], $0xffff;
	[tilespmem:s2+$0x40] =	vst v9  }
0x66: {  	v9 =	vor.u32 $0x300, v2;
	v19 =	vld.idx.msk [tilespmem:v14+s15+$0x0], $0xffff;
	[tilespmem:s2+$0x50] =	vst v8  }
0x67: {  	v20 =	vor.u32 $0x300, v1;
	v21 =	vld.idx.msk [tilespmem:v16+s15+$0x0], $0xffff;
	[tilespmem:s2+$0x60] =	vst v15  }
0x68: {  	v22 =	vor.u32 $0x300, v3;
	[tilespmem:s2+$0x80] =	vst v17;
	v17 =	vld.idx.msk [tilespmem:v7+s15+$0x0], $0xffff  }
0x69: {  	v23 =	vor.u32 $0x300, v10;
	v15 =	vld.idx.msk [tilespmem:v18+s15+$0x0], $0xffff;
	[tilespmem:s2+$0x1F0] =	vst v4  }
0x6a: {  	v14 =	vld.idx.msk [tilespmem:v13+s15+$0x0], $0xffff;
	[tilespmem:s2+$0x90] =	vst v5  }
0x6b: {  	v13 =	vld.idx.msk [tilespmem:v9+s15+$0x0], $0xffff;
	[tilespmem:s2+$0xA0] =	vst v6  }
0x6c: {  	s31 =	smul.u32 $0x18, s30;
	v8 =	vor.u32 $0x300, v11;
	v7 =	vor.u32 $0x380, v0;
	v0 =	vor.u32 $0x380, v12;
	[tilespmem:s2+$0xB0] =	vst v19;
	v16 =	vld.idx.msk [tilespmem:v20+s15+$0x0], $0xffff  }
0x6d: {  	s9 =	simm.s32 $0x0;
	v5 =	vor.u32 $0x380, v1;
	v4 =	vor.u32 $0x380, v3;
	v1 =	vor.u32 $0x380, v11;
	v3 =	vld.idx.msk [tilespmem:v22+s15+$0x0], $0xffff;
	[tilespmem:s2+$0xC0] =	vst v21  }
0x6e: {  	s3 =	simm.s32 $0xCA00;
	s0 =	sadd.s32 s4, s31;
	s10 =	simm.s32 $0xC0;
	v6 =	vor.u32 $0x380, v2;
	v9 =	vor.u32 $0x300, v12;
	v2 =	vor.u32 $0x380, v10;
	v10 =	vld.idx.msk [tilespmem:v23+s15+$0x0], $0xffff;
	[tilespmem:s2+$0xD0] =	vst v17  }
.LBB2_3:
0x6f: {  	v11 =	vld [tilespmem:s10+$0x30];
	s9 =	sadd.s32 $0x8, s9;
	[tilespmem:s2+$0xE0] =	vst v15  }
0x70: {  	v12 =	vld [tilespmem:s10+$0xFFFFFFD0];
	p1 =	slt.u32 s9, $0x78;
	[tilespmem:s2+$0x100] =	vst v14  }
0x71: {  	v14 =	vld [tilespmem:s10+$0xFFFFFFE0];
	[tilespmem:s2+$0x110] =	vst v13  }
0x72: {  	v13 =	vld [tilespmem:s10+$0xFFFFFFF0];
	[tilespmem:s2+$0x120] =	vst v16  }
0x73: {  	v15 =	vld [tilespmem:s10+$0x0];
	[tilespmem:s2+$0x130] =	vst v3  }
0x74: {  	v16 =	vld [tilespmem:s10+$0x10];
	v3 =	vshll.u32 v11, $0x3;
	[tilespmem:s2+$0x140] =	vst v10  }
0x75: {  	v11 =	vand.u32 $0x7F, v11;
	v10 =	vshll.u32 v12, $0x3;
	v17 =	vld [tilespmem:s10+$0x20];
	v3 =	vand.u32 $0xFFFFFC00, v3  }
0x76: {  	v18 =	vld [tilespmem:s10+$0xFFFFFFC0];
	v10 =	vand.u32 $0xFFFFFC00, v10;
	v19 =	vshll.u32 v14, $0x3;
	v3 =	vor.u32 v11, v3  }
0x77: {  	v11 =	vand.u32 $0x7F, v12;
	v12 =	vand.u32 $0xFFFFFC00, v19;
	v19 =	vshll.u32 v13, $0x3;
	v8 =	vld.idx.msk [tilespmem:v8+s15+$0x0], $0xffff  }
0x78: {  	v14 =	vand.u32 $0x7F, v14;
	v19 =	vand.u32 $0xFFFFFC00, v19;
	v20 =	vshll.u32 v15, $0x3;
	v9 =	vld.idx.msk [tilespmem:v9+s15+$0x0], $0xffff  }
0x79: {  	v13 =	vand.u32 $0x7F, v13;
	v20 =	vand.u32 $0xFFFFFC00, v20;
	v21 =	vshll.u32 v16, $0x3;
	v7 =	vld.idx.msk [tilespmem:v7+s15+$0x0], $0xffff  }
0x7a: {  	v15 =	vand.u32 $0x7F, v15;
	v21 =	vand.u32 $0xFFFFFC00, v21;
	v22 =	vshll.u32 v17, $0x3;
	v6 =	vld.idx.msk [tilespmem:v6+s15+$0x0], $0xffff  }
0x7b: {  	v23 =	vand.u32 $0x7F, v18;
	v18 =	vshll.u32 v18, $0x3;
	v22 =	vand.u32 $0xFFFFFC00, v22;
	v24 =	vld.idx.msk [tilespmem:v3+s15+$0x0], $0xffff  }
0x7c: {  	v16 =	vand.u32 $0x7F, v16;
	v17 =	vand.u32 $0x7F, v17;
	v18 =	vand.u32 $0xFFFFFC00, v18;
	v5 =	vld.idx.msk [tilespmem:v5+s15+$0x0], $0xffff  }
0x7d: {  	v25 =	vor.u32 v11, v10;
	v10 =	vor.u32 $0x80, v3;
	v23 =	vor.u32 v23, v18;
	v4 =	vld.idx.msk [tilespmem:v4+s15+$0x0], $0xffff;
	[tilespmem:s2+$0x150] =	vst v8  }
0x7e: {  	v26 =	vor.u32 v14, v12;
	v27 =	vor.u32 v13, v19;
	v28 =	vor.u32 v15, v20;
	[tilespmem:s2+$0x160] =	vst v9  }
0x7f: {  	v21 =	vor.u32 v16, v21;
	v22 =	vor.u32 v17, v22;
	v8 =	vor.u32 $0x80, v23;
	[tilespmem:s2+$0x180] =	vst v7;
	v2 =	vld.idx.msk [tilespmem:v2+s15+$0x0], $0xffff  }
0x80: {  	v29 =	vor.u32 $0x80, v27;
	v9 =	vor.u32 $0x80, v26;
	v7 =	vor.u32 $0x80, v25;
	s2 =	sadd.s32 $0x400, s2;
	[tilespmem:s3+$0x190] =	vst v6;
	v1 =	vld.idx.msk [tilespmem:v1+s15+$0x0], $0xffff  }
0x81: {  	v30 =	vor.u32 $0x80, v28;
	v31 =	vor.u32 $0x80, v21;
	v32 =	vor.u32 $0x80, v22;
	[tilespmem:s2+$0xFFFFFE70] =	vst v24;
	v0 =	vld.idx.msk [tilespmem:v0+s15+$0x0], $0xffff  }
0x82: {  	v33 =	vor.u32 $0x100, v25;
	v34 =	vor.u32 $0x100, v26;
	v24 =	vor.u32 $0x100, v23;
	v6 =	vld.idx.msk [tilespmem:v10+s15+$0x0], $0xffff;
	[tilespmem:s3+$0x1A0] =	vst v5  }
0x83: {  	v35 =	vor.u32 $0x100, v27;
	v36 =	vor.u32 $0x100, v28;
	v37 =	vor.u32 $0x100, v21;
	v5 =	vld.idx.msk [tilespmem:v23+s15+$0x0], $0xffff;
	[tilespmem:s3+$0x1B0] =	vst v4  }
0x84: {  	v39 =	vor.u32 $0x100, v22;
	v38 =	vor.u32 $0x180, v23;
	v10 =	vor.u32 $0x100, v3;
	v4 =	vld.idx.msk [tilespmem:v25+s15+$0x0], $0xffff  }
0x85: {  	v40 =	vor.u32 $0x180, v25;
	v41 =	vor.u32 $0x180, v26;
	v42 =	vor.u32 $0x180, v27;
	v11 =	vld.idx.msk [tilespmem:v26+s15+$0x0], $0xffff;
	[tilespmem:s3+$0x1C0] =	vst v2  }
0x86: {  	v43 =	vor.u32 $0x180, v28;
	v44 =	vor.u32 $0x180, v21;
	v45 =	vor.u32 $0x180, v22;
	v2 =	vld.idx.msk [tilespmem:v27+s15+$0x0], $0xffff;
	[tilespmem:s3+$0x1D0] =	vst v1  }
0x87: {  	v47 =	vor.u32 $0x200, v25;
	v48 =	vor.u32 $0x200, v26;
	v46 =	vor.u32 $0x200, v23;
	v1 =	vld.idx.msk [tilespmem:v28+s15+$0x0], $0xffff;
	[tilespmem:s3+$0x1E0] =	vst v0;
	s3 =	smov.u32 s2  }
0x88: {  	v49 =	vor.u32 $0x200, v27;
	v50 =	vor.u32 $0x200, v28;
	v51 =	vor.u32 $0x200, v21;
	v0 =	vld.idx.msk [tilespmem:v21+s15+$0x0], $0xffff;
	[tilespmem:s2+$0xFFFFFEF0] =	vst v6  }
0x89: {  	v18 =	vor.u32 $0x280, v25;
	v53 =	vor.u32 $0x200, v22;
	v52 =	vor.u32 $0x280, v23;
	[tilespmem:s2+$0xFFFFFE00] =	vst v5;
	v54 =	vld.idx.msk [tilespmem:v10+s15+$0x0], $0xffff  }
0x8a: {  	v20 =	vor.u32 $0x280, v26;
	v19 =	vor.u32 $0x280, v27;
	v15 =	vor.u32 $0x280, v28;
	[tilespmem:s2+$0xFFFFFE10] =	vst v4;
	v55 =	vld.idx.msk [tilespmem:v22+s15+$0x0], $0xffff  }
0x8b: {  	v57 =	vor.u32 $0x180, v3;
	v17 =	vor.u32 $0x280, v21;
	v16 =	vor.u32 $0x280, v22;
	v56 =	vld.idx.msk [tilespmem:v8+s15+$0x0], $0xffff;
	[tilespmem:s2+$0xFFFFFE20] =	vst v11  }
0x8c: {  	v13 =	vor.u32 $0x300, v25;
	v14 =	vor.u32 $0x300, v23;
	v10 =	vor.u32 $0x300, v26;
	v58 =	vld.idx.msk [tilespmem:v7+s15+$0x0], $0xffff;
	[tilespmem:s2+$0xFFFFFE30] =	vst v2  }
0x8d: {  	v12 =	vor.u32 $0x300, v27;
	v11 =	vor.u32 $0x300, v28;
	v8 =	vor.u32 $0x300, v21;
	v59 =	vld.idx.msk [tilespmem:v9+s15+$0x0], $0xffff;
	[tilespmem:s2+$0xFFFFFE40] =	vst v1  }
0x8e: {  	v6 =	vor.u32 $0x380, v25;
	v7 =	vor.u32 $0x380, v23;
	v9 =	vor.u32 $0x300, v22;
	v23 =	vld.idx.msk [tilespmem:v29+s15+$0x0], $0xffff;
	[tilespmem:s2+$0xFFFFFE50] =	vst v0  }
0x8f: {  	v5 =	vor.u32 $0x380, v26;
	v4 =	vor.u32 $0x380, v27;
	v2 =	vor.u32 $0x380, v28;
	v25 =	vld.idx.msk [tilespmem:v30+s15+$0x0], $0xffff;
	[tilespmem:s2+$0xFFFFFF70] =	vst v54  }
0x90: {  	v1 =	vor.u32 $0x380, v21;
	v0 =	vor.u32 $0x380, v22;
	[tilespmem:s2+$0xFFFFFE60] =	vst v55;
	v21 =	vld.idx.msk [tilespmem:v57+s15+$0x0], $0xffff  }
0x91: {  	[tilespmem:s2+$0xFFFFFE80] =	vst v56;
	v22 =	vld.idx.msk [tilespmem:v31+s15+$0x0], $0xffff  }
0x92: {  	v27 =	vor.u32 $0x200, v3;
	[tilespmem:s2+$0xFFFFFE90] =	vst v58;
	v26 =	vld.idx.msk [tilespmem:v32+s15+$0x0], $0xffff  }
0x93: {  	v24 =	vld.idx.msk [tilespmem:v24+s15+$0x0], $0xffff;
	[tilespmem:s2+$0xFFFFFEA0] =	vst v59  }
0x94: {  	v28 =	vld.idx.msk [tilespmem:v33+s15+$0x0], $0xffff;
	[tilespmem:s2+$0xFFFFFEB0] =	vst v23  }
0x95: {  	v23 =	vld.idx.msk [tilespmem:v34+s15+$0x0], $0xffff;
	[tilespmem:s2+$0xFFFFFEC0] =	vst v25  }
0x96: {  	v25 =	vld.idx.msk [tilespmem:v35+s15+$0x0], $0xffff;
	[tilespmem:s2+$0xFFFFFFF0] =	vst v21  }
0x97: {  	[tilespmem:s2+$0xFFFFFED0] =	vst v22;
	v21 =	vld.idx.msk [tilespmem:v27+s15+$0x0], $0xffff  }
0x98: {  	v22 =	vld.idx.msk [tilespmem:v36+s15+$0x0], $0xffff;
	[tilespmem:s2+$0xFFFFFEE0] =	vst v26  }
0x99: {  	v26 =	vor.u32 $0x280, v3;
	[tilespmem:s2+$0xFFFFFF00] =	vst v24;
	v24 =	vld.idx.msk [tilespmem:v37+s15+$0x0], $0xffff  }
0x9a: {  	[tilespmem:s2+$0xFFFFFF10] =	vst v28;
	v27 =	vld.idx.msk [tilespmem:v39+s15+$0x0], $0xffff  }
0x9b: {  	v28 =	vld.idx.msk [tilespmem:v38+s15+$0x0], $0xffff;
	[tilespmem:s2+$0xFFFFFF20] =	vst v23  }
0x9c: {  	v23 =	vld.idx.msk [tilespmem:v40+s15+$0x0], $0xffff;
	[tilespmem:s2+$0xFFFFFF30] =	vst v25  }
0x9d: {  	v25 =	vld.idx.msk [tilespmem:v41+s15+$0x0], $0xffff;
	[tilespmem:s2+$0x70] =	vst v21  }
0x9e: {  	[tilespmem:s2+$0xFFFFFF40] =	vst v22;
	v21 =	vld.idx.msk [tilespmem:v26+s15+$0x0], $0xffff  }
0x9f: {  	v22 =	vld.idx.msk [tilespmem:v42+s15+$0x0], $0xffff;
	[tilespmem:s2+$0xFFFFFF50] =	vst v24  }
0xa0: {  	v26 =	vor.u32 $0x300, v3;
	v24 =	vld.idx.msk [tilespmem:v43+s15+$0x0], $0xffff;
	[tilespmem:s2+$0xFFFFFF60] =	vst v27  }
0xa1: {  	[tilespmem:s2+$0xFFFFFF80] =	vst v28;
	v27 =	vld.idx.msk [tilespmem:v44+s15+$0x0], $0xffff  }
0xa2: {  	[tilespmem:s2+$0xFFFFFF90] =	vst v23;
	v23 =	vld.idx.msk [tilespmem:v45+s15+$0x0], $0xffff  }
0xa3: {  	v28 =	vld.idx.msk [tilespmem:v46+s15+$0x0], $0xffff;
	[tilespmem:s2+$0xFFFFFFA0] =	vst v25  }
0xa4: {  	v25 =	vld.idx.msk [tilespmem:v47+s15+$0x0], $0xffff;
	[tilespmem:s2+$0xF0] =	vst v21  }
0xa5: {  	[tilespmem:s2+$0xFFFFFFB0] =	vst v22;
	v21 =	vld.idx.msk [tilespmem:v26+s15+$0x0], $0xffff  }
0xa6: {  	v22 =	vld.idx.msk [tilespmem:v48+s15+$0x0], $0xffff;
	[tilespmem:s2+$0xFFFFFFC0] =	vst v24  }
0xa7: {  	v3 =	vor.u32 $0x380, v3;
	v24 =	vld.idx.msk [tilespmem:v49+s15+$0x0], $0xffff;
	[tilespmem:s2+$0xFFFFFFD0] =	vst v27  }
0xa8: {  	v26 =	vld.idx.msk [tilespmem:v50+s15+$0x0], $0xffff;
	[tilespmem:s2+$0xFFFFFFE0] =	vst v23  }
0xa9: {  	[tilespmem:s2+$0x0] =	vst v28;
	v23 =	vld.idx.msk [tilespmem:v51+s15+$0x0], $0xffff  }
0xaa: {  	[tilespmem:s2+$0x10] =	vst v25;
	v25 =	vld.idx.msk [tilespmem:v53+s15+$0x0], $0xffff  }
0xab: {  	v27 =	vld.idx.msk [tilespmem:v52+s15+$0x0], $0xffff;
	[tilespmem:s2+$0x170] =	vst v21  }
0xac: {  	[tilespmem:s2+$0x20] =	vst v22;
	v3 =	vld.idx.msk [tilespmem:v3+s15+$0x0], $0xffff  }
0xad: {  	v18 =	vld.idx.msk [tilespmem:v18+s15+$0x0], $0xffff;
	[tilespmem:s2+$0x30] =	vst v24  }
0xae: {  	v20 =	vld.idx.msk [tilespmem:v20+s15+$0x0], $0xffff;
	[tilespmem:s2+$0x40] =	vst v26  }
0xaf: {  	v19 =	vld.idx.msk [tilespmem:v19+s15+$0x0], $0xffff;
	[tilespmem:s2+$0x50] =	vst v23  }
0xb0: {  	v21 =	vld.idx.msk [tilespmem:v15+s15+$0x0], $0xffff;
	[tilespmem:s2+$0x60] =	vst v25  }
0xb1: {  	[tilespmem:s2+$0x80] =	vst v27;
	v17 =	vld.idx.msk [tilespmem:v17+s15+$0x0], $0xffff  }
0xb2: {  	v15 =	vld.idx.msk [tilespmem:v16+s15+$0x0], $0xffff;
	[tilespmem:s2+$0x1F0] =	vst v3  }
.Ltmp2:
0xb3: {  	v14 =	vld.idx.msk [tilespmem:v14+s15+$0x0], $0xffff;
	[tilespmem:s2+$0x90] =	vst v18;
	(pc) =	sbr.rel @p1 .LBB2_3-.Ltmp2, $4  }
0xb4: {  	v13 =	vld.idx.msk [tilespmem:v13+s15+$0x0], $0xffff;
	[tilespmem:s2+$0xA0] =	vst v20  }
0xb5: {  	v16 =	vld.idx.msk [tilespmem:v10+s15+$0x0], $0xffff;
	[tilespmem:s2+$0xB0] =	vst v19  }
0xb6: {  	v3 =	vld.idx.msk [tilespmem:v12+s15+$0x0], $0xffff;
	[tilespmem:s2+$0xC0] =	vst v21  }
0xb7: {  	s10 =	sadd.s32 $0x80, s10;
	v10 =	vld.idx.msk [tilespmem:v11+s15+$0x0], $0xffff;
	[tilespmem:s2+$0xD0] =	vst v17  }
0xb8: {  	_ =	sdelay $0x2  }
0xb9: {  	[tilespmem:s2+$0xE0] =	vst v15  }
0xba: {  	[tilespmem:s2+$0x100] =	vst v14;
	v8 =	vld.idx.msk [tilespmem:v8+s15+$0x0], $0xffff  }
0xbb: {  	[tilespmem:s2+$0x110] =	vst v13;
	v9 =	vld.idx.msk [tilespmem:v9+s15+$0x0], $0xffff  }
0xbc: {  	v7 =	vld.idx.msk [tilespmem:v7+s15+$0x0], $0xffff;
	[tilespmem:s2+$0x120] =	vst v16  }
0xbd: {  	[tilespmem:s2+$0x130] =	vst v3;
	v3 =	vld.idx.msk [tilespmem:v6+s15+$0x0], $0xffff  }
0xbe: {  	v5 =	vld.idx.msk [tilespmem:v5+s15+$0x0], $0xffff;
	[tilespmem:s2+$0x140] =	vst v10  }
0xbf: {  	v4 =	vld.idx.msk [tilespmem:v4+s15+$0x0], $0xffff;
	[tilespmem:s2+$0x150] =	vst v8  }
0xc0: {  	v2 =	vld.idx.msk [tilespmem:v2+s15+$0x0], $0xffff;
	[tilespmem:s2+$0x160] =	vst v9  }
0xc1: {  	[tilespmem:s2+$0x180] =	vst v7;
	v1 =	vld.idx.msk [tilespmem:v1+s15+$0x0], $0xffff  }
0xc2: {  	v0 =	vld.idx.msk [tilespmem:v0+s15+$0x0], $0xffff;
	[tilespmem:s3+$0x190] =	vst v3  }
0xc3: {  	[tilespmem:s3+$0x1A0] =	vst v5  }
0xc4: {  	s0 =	sshll.u32 s0, $0xB;
	[tilespmem:s3+$0x1B0] =	vst v4  }
0xc5: {  	p1 =	seq.s32 s30, $0xA;
	s9 =	sadd.s32 s6, s0;
	[tilespmem:s3+$0x1C0] =	vst v2  }
0xc6: {  	s0 =	sadd.s32 @!p1 s0, s11;
	s2 =	sshrl.u32 s9, $0x3;
	[tilespmem:s3+$0x1D0] =	vst v1  }
0xc7: {  	s0 =	sshrl.u32 @!p1 s0, $0x3;
	s2 =	sadd.s32 s5, s2;
	[tilespmem:s3+$0x1E0] =	vst v0  }
0xc8: {  	[hbm4b:s2+s7] =	stream.linear.scatter [tilespmem:s20], [sflag:$0x4], $0x4000, $0x38;
	[tilespmem:$0x18800] =	vst v63  }
0xc9: {  	s0 =	sadd.s32 @!p1 s1, s0;
	s3 =	simm.s32 @!p1 $0x800;
	s2 =	simm.s32 @!p1 $0x0  }
0xca: {  	[tilespmem:s3], [sflag:$0x1] =	stream.linear.gather @!p1 [hbm4b:s0+s2], $0x4000, $0x38;
	[tilespmem:$0x18800] =	vst v63  }
0xcb: {  	_ =	swait.ge [sflag:s21], $0x4000  }
0xcc: {  	[sflag:s21] =	ssyncset.done $0x0  }
0xcd: {  	s0 =	simm.s32 @!p0 $0x5;
	[sflag:s21] =	ssyncadd.s32 $0xFFFFC000  }
0xce: {  	_ =	swait.ge @!p0 [sflag:s0], $0x4000  }
0xcf: {  	[sflag:s0] =	ssyncset.done @!p0 $0x0  }
0xd0: {  	s10 =	simm.s32 $0x40;
	[sflag:s0] =	ssyncadd.s32 @!p0 $0xFFFFC000  }
0xd1: {  	v0 =	vld [tilespmem:s10+$0x30]  }
0xd2: {  	v1 =	vld [tilespmem:s10+$0xFFFFFFD0]  }
0xd3: {  	v6 =	vld [tilespmem:s10+$0xFFFFFFF0]  }
0xd4: {  	v3 =	vld [tilespmem:s10+$0xFFFFFFE0]  }
0xd5: {  	v5 =	vld [tilespmem:s10+$0xFFFFFFC0]  }
0xd6: {  	v2 =	vshll.u32 v0, $0x3  }
0xd7: {  	v0 =	vand.u32 $0x7F, v0;
	v2 =	vand.u32 $0xFFFFFC00, v2  }
0xd8: {  	v13 =	vshll.u32 v6, $0x3;
	v4 =	vor.u32 v0, v2;
	v0 =	vshll.u32 v1, $0x3  }
0xd9: {  	v6 =	vand.u32 $0x7F, v6;
	v2 =	vand.u32 $0xFFFFFC00, v0;
	v0 =	vshll.u32 v3, $0x3  }
0xda: {  	v8 =	vld [tilespmem:s10+$0x10];
	v1 =	vand.u32 $0x7F, v1;
	v9 =	vand.u32 $0xFFFFFC00, v0;
	v0 =	vshll.u32 v5, $0x3  }
0xdb: {  	v7 =	vld [tilespmem:s10+$0x0];
	v5 =	vand.u32 $0x7F, v5;
	v2 =	vor.u32 v1, v2;
	v0 =	vand.u32 $0xFFFFFC00, v0  }
0xdc: {  	v3 =	vand.u32 $0x7F, v3;
	v0 =	vor.u32 v5, v0;
	v5 =	vand.u32 $0xFFFFFC00, v13  }
0xdd: {  	v1 =	vor.u32 v3, v9;
	v10 =	vld.idx.msk [tilespmem:v4+s16+$0x0], $0xffff;
	v3 =	vor.u32 v6, v5  }
0xde: {  	v12 =	vld [tilespmem:s10+$0x20];
	v11 =	vor.u32 $0x80, v4  }
0xdf: {  	v9 =	vshll.u32 v8, $0x3  }
0xe0: {  	v13 =	vshll.u32 v7, $0x3;
	v5 =	vand.u32 $0xFFFFFC00, v9;
	v9 =	vld.idx.msk [tilespmem:v2+s16+$0x0], $0xffff  }
0xe1: {  	s2 =	simm.s32 $0x10A00;
	v15 =	vor.u32 $0x80, v2;
	v7 =	vand.u32 $0x7F, v7;
	v13 =	vand.u32 $0xFFFFFC00, v13  }
0xe2: {  	v6 =	vand.u32 $0x7F, v8;
	[tilespmem:s2+$0xFFFFFE70] =	vst v10;
	v10 =	vor.u32 v7, v13;
	v14 =	vld.idx.msk [tilespmem:v3+s16+$0x0], $0xffff  }
0xe3: {  	v8 =	vshll.u32 v12, $0x3;
	v7 =	vld.idx.msk [tilespmem:v11+s16+$0x0], $0xffff;
	v11 =	vor.u32 v6, v5  }
0xe4: {  	v13 =	vor.u32 $0x100, v4;
	v5 =	vld.idx.msk [tilespmem:v0+s16+$0x0], $0xffff;
	v6 =	vand.u32 $0xFFFFFC00, v8;
	v8 =	vand.u32 $0x7F, v12  }
0xe5: {  	v12 =	vor.u32 v8, v6;
	v6 =	vld.idx.msk [tilespmem:v1+s16+$0x0], $0xffff;
	v8 =	vor.u32 $0x80, v0;
	[tilespmem:s2+$0xFFFFFE10] =	vst v9  }
0xe6: {  	v15 =	vld.idx.msk [tilespmem:v15+s16+$0x0], $0xffff  }
0xe7: {  	v17 =	vor.u32 $0x80, v1;
	v16 =	vld.idx.msk [tilespmem:v10+s16+$0x0], $0xffff  }
0xe8: {  	v18 =	vld.idx.msk [tilespmem:v11+s16+$0x0], $0xffff;
	[tilespmem:s2+$0xFFFFFEF0] =	vst v7;
	v7 =	vor.u32 $0x80, v3  }
0xe9: {  	[tilespmem:s2+$0xFFFFFE00] =	vst v5;
	v5 =	vld.idx.msk [tilespmem:v13+s16+$0x0], $0xffff;
	v13 =	vor.u32 $0x80, v10  }
0xea: {  	v19 =	vor.u32 $0x80, v11;
	[tilespmem:s2+$0xFFFFFE30] =	vst v14;
	v8 =	vld.idx.msk [tilespmem:v8+s16+$0x0], $0xffff  }
0xeb: {  	v9 =	vld.idx.msk [tilespmem:v12+s16+$0x0], $0xffff;
	[tilespmem:s2+$0xFFFFFE20] =	vst v6;
	v6 =	vor.u32 $0x180, v4  }
0xec: {  	v14 =	vor.u32 $0x80, v12;
	v17 =	vld.idx.msk [tilespmem:v17+s16+$0x0], $0xffff;
	[tilespmem:s2+$0xFFFFFE40] =	vst v16  }
0xed: {  	v16 =	vor.u32 $0x100, v0;
	v7 =	vld.idx.msk [tilespmem:v7+s16+$0x0], $0xffff;
	[tilespmem:s2+$0xFFFFFE50] =	vst v18  }
0xee: {  	v18 =	vor.u32 $0x100, v2;
	v13 =	vld.idx.msk [tilespmem:v13+s16+$0x0], $0xffff;
	[tilespmem:s2+$0xFFFFFF70] =	vst v5  }
0xef: {  	v5 =	vor.u32 $0x100, v1;
	[tilespmem:s2+$0xFFFFFE80] =	vst v8;
	v8 =	vld.idx.msk [tilespmem:v19+s16+$0x0], $0xffff  }
0xf0: {  	[tilespmem:s2+$0xFFFFFE60] =	vst v9;
	v9 =	vor.u32 $0x100, v3;
	v6 =	vld.idx.msk [tilespmem:v6+s16+$0x0], $0xffff  }
0xf1: {  	[tilespmem:s2+$0xFFFFFE90] =	vst v15;
	v19 =	vor.u32 $0x100, v10;
	v14 =	vld.idx.msk [tilespmem:v14+s16+$0x0], $0xffff  }
0xf2: {  	[tilespmem:s2+$0xFFFFFEA0] =	vst v17;
	v17 =	vor.u32 $0x100, v11;
	v16 =	vld.idx.msk [tilespmem:v16+s16+$0x0], $0xffff  }
0xf3: {  	v15 =	vor.u32 $0x200, v4;
	v18 =	vld.idx.msk [tilespmem:v18+s16+$0x0], $0xffff;
	[tilespmem:s2+$0xFFFFFEB0] =	vst v7  }
0xf4: {  	v7 =	vor.u32 $0x100, v12;
	v5 =	vld.idx.msk [tilespmem:v5+s16+$0x0], $0xffff;
	[tilespmem:s2+$0xFFFFFEC0] =	vst v13  }
0xf5: {  	v13 =	vor.u32 $0x180, v0;
	v9 =	vld.idx.msk [tilespmem:v9+s16+$0x0], $0xffff;
	[tilespmem:s2+$0xFFFFFED0] =	vst v8  }
0xf6: {  	[tilespmem:s2+$0xFFFFFFF0] =	vst v6;
	v6 =	vor.u32 $0x180, v2;
	v19 =	vld.idx.msk [tilespmem:v19+s16+$0x0], $0xffff  }
0xf7: {  	[tilespmem:s2+$0xFFFFFEE0] =	vst v14;
	v14 =	vld.idx.msk [tilespmem:v17+s16+$0x0], $0xffff;
	v17 =	vor.u32 $0x180, v3  }
0xf8: {  	v8 =	vld.idx.msk [tilespmem:v15+s16+$0x0], $0xffff;
	v15 =	vor.u32 $0x180, v1;
	[tilespmem:s2+$0xFFFFFF00] =	vst v16  }
0xf9: {  	v16 =	vor.u32 $0x280, v4;
	[tilespmem:s2+$0xFFFFFF10] =	vst v18;
	v7 =	vld.idx.msk [tilespmem:v7+s16+$0x0], $0xffff  }
0xfa: {  	v18 =	vor.u32 $0x180, v10;
	v13 =	vld.idx.msk [tilespmem:v13+s16+$0x0], $0xffff;
	[tilespmem:s2+$0xFFFFFF20] =	vst v5  }
0xfb: {  	v5 =	vor.u32 $0x180, v11;
	[tilespmem:s2+$0xFFFFFF30] =	vst v9;
	v6 =	vld.idx.msk [tilespmem:v6+s16+$0x0], $0xffff  }
0xfc: {  	v9 =	vor.u32 $0x180, v12;
	[tilespmem:s2+$0xFFFFFF40] =	vst v19;
	v17 =	vld.idx.msk [tilespmem:v17+s16+$0x0], $0xffff  }
0xfd: {  	v15 =	vld.idx.msk [tilespmem:v15+s16+$0x0], $0xffff;
	[tilespmem:s2+$0x70] =	vst v8;
	v8 =	vor.u32 $0x200, v0  }
0xfe: {  	v19 =	vor.u32 $0x200, v2;
	[tilespmem:s2+$0xFFFFFF50] =	vst v14;
	v16 =	vld.idx.msk [tilespmem:v16+s16+$0x0], $0xffff  }
0xff: {  	v14 =	vld.idx.msk [tilespmem:v18+s16+$0x0], $0xffff;
	[tilespmem:s2+$0xFFFFFF60] =	vst v7;
	v7 =	vor.u32 $0x300, v4  }
0x100: {  	v18 =	vor.u32 $0x200, v1;
	[tilespmem:s2+$0xFFFFFF80] =	vst v13;
	v5 =	vld.idx.msk [tilespmem:v5+s16+$0x0], $0xffff  }
0x101: {  	v13 =	vor.u32 $0x200, v3;
	[tilespmem:s2+$0xFFFFFF90] =	vst v6;
	v6 =	vld.idx.msk [tilespmem:v9+s16+$0x0], $0xffff  }
0x102: {  	v9 =	vor.u32 $0x200, v10;
	v8 =	vld.idx.msk [tilespmem:v8+s16+$0x0], $0xffff;
	[tilespmem:s2+$0xFFFFFFA0] =	vst v15  }
0x103: {  	v15 =	vor.u32 $0x200, v11;
	v19 =	vld.idx.msk [tilespmem:v19+s16+$0x0], $0xffff;
	[tilespmem:s2+$0xF0] =	vst v16  }
0x104: {  	[tilespmem:s2+$0xFFFFFFB0] =	vst v17;
	v16 =	vor.u32 $0x200, v12;
	v7 =	vld.idx.msk [tilespmem:v7+s16+$0x0], $0xffff  }
0x105: {  	v17 =	vor.u32 $0x280, v0;
	v18 =	vld.idx.msk [tilespmem:v18+s16+$0x0], $0xffff;
	[tilespmem:s2+$0xFFFFFFC0] =	vst v14  }
0x106: {  	v4 =	vor.u32 $0x380, v4;
	v13 =	vld.idx.msk [tilespmem:v13+s16+$0x0], $0xffff;
	[tilespmem:s2+$0xFFFFFFD0] =	vst v5  }
0x107: {  	v5 =	vor.u32 $0x280, v2;
	v9 =	vld.idx.msk [tilespmem:v9+s16+$0x0], $0xffff;
	[tilespmem:s2+$0xFFFFFFE0] =	vst v6  }
0x108: {  	v6 =	vor.u32 $0x280, v1;
	[tilespmem:s2+$0x0] =	vst v8;
	v8 =	vld.idx.msk [tilespmem:v15+s16+$0x0], $0xffff  }
0x109: {  	v14 =	vor.u32 $0x280, v3;
	[tilespmem:s2+$0x10] =	vst v19;
	v15 =	vld.idx.msk [tilespmem:v16+s16+$0x0], $0xffff  }
0x10a: {  	v16 =	vor.u32 $0x280, v10;
	v17 =	vld.idx.msk [tilespmem:v17+s16+$0x0], $0xffff;
	[tilespmem:s2+$0x170] =	vst v7  }
0x10b: {  	v7 =	vor.u32 $0x280, v11;
	[tilespmem:s2+$0x20] =	vst v18;
	v4 =	vld.idx.msk [tilespmem:v4+s16+$0x0], $0xffff  }
0x10c: {  	v18 =	vor.u32 $0x280, v12;
	v5 =	vld.idx.msk [tilespmem:v5+s16+$0x0], $0xffff;
	[tilespmem:s2+$0x30] =	vst v13  }
0x10d: {  	v13 =	vor.u32 $0x300, v0;
	v6 =	vld.idx.msk [tilespmem:v6+s16+$0x0], $0xffff;
	[tilespmem:s2+$0x40] =	vst v9  }
0x10e: {  	v9 =	vor.u32 $0x300, v2;
	v19 =	vld.idx.msk [tilespmem:v14+s16+$0x0], $0xffff;
	[tilespmem:s2+$0x50] =	vst v8  }
0x10f: {  	v20 =	vor.u32 $0x300, v1;
	v21 =	vld.idx.msk [tilespmem:v16+s16+$0x0], $0xffff;
	[tilespmem:s2+$0x60] =	vst v15  }
0x110: {  	v22 =	vor.u32 $0x300, v3;
	[tilespmem:s2+$0x80] =	vst v17;
	v17 =	vld.idx.msk [tilespmem:v7+s16+$0x0], $0xffff  }
0x111: {  	v23 =	vor.u32 $0x300, v10;
	v15 =	vld.idx.msk [tilespmem:v18+s16+$0x0], $0xffff;
	[tilespmem:s2+$0x1F0] =	vst v4  }
0x112: {  	v14 =	vld.idx.msk [tilespmem:v13+s16+$0x0], $0xffff;
	[tilespmem:s2+$0x90] =	vst v5  }
0x113: {  	v13 =	vld.idx.msk [tilespmem:v9+s16+$0x0], $0xffff;
	[tilespmem:s2+$0xA0] =	vst v6  }
0x114: {  	v8 =	vor.u32 $0x300, v11;
	v7 =	vor.u32 $0x380, v0;
	v0 =	vor.u32 $0x380, v12;
	[tilespmem:s2+$0xB0] =	vst v19;
	v16 =	vld.idx.msk [tilespmem:v20+s16+$0x0], $0xffff  }
0x115: {  	s9 =	simm.s32 $0x0;
	v5 =	vor.u32 $0x380, v1;
	v4 =	vor.u32 $0x380, v3;
	v1 =	vor.u32 $0x380, v11;
	v3 =	vld.idx.msk [tilespmem:v22+s16+$0x0], $0xffff;
	[tilespmem:s2+$0xC0] =	vst v21  }
0x116: {  	s3 =	simm.s32 $0x10A00;
	s0 =	sadd.s32 s31, s12;
	s10 =	simm.s32 $0xC0;
	v6 =	vor.u32 $0x380, v2;
	v9 =	vor.u32 $0x300, v12;
	v2 =	vor.u32 $0x380, v10;
	v10 =	vld.idx.msk [tilespmem:v23+s16+$0x0], $0xffff;
	[tilespmem:s2+$0xD0] =	vst v17  }
.LBB2_5:
0x117: {  	v11 =	vld [tilespmem:s10+$0x30];
	s9 =	sadd.s32 $0x8, s9;
	[tilespmem:s2+$0xE0] =	vst v15  }
0x118: {  	v12 =	vld [tilespmem:s10+$0xFFFFFFD0];
	p2 =	slt.u32 s9, $0x78;
	[tilespmem:s2+$0x100] =	vst v14  }
0x119: {  	v14 =	vld [tilespmem:s10+$0xFFFFFFE0];
	[tilespmem:s2+$0x110] =	vst v13  }
0x11a: {  	v13 =	vld [tilespmem:s10+$0xFFFFFFF0];
	[tilespmem:s2+$0x120] =	vst v16  }
0x11b: {  	v15 =	vld [tilespmem:s10+$0x0];
	[tilespmem:s2+$0x130] =	vst v3  }
0x11c: {  	v16 =	vld [tilespmem:s10+$0x10];
	v3 =	vshll.u32 v11, $0x3;
	[tilespmem:s2+$0x140] =	vst v10  }
0x11d: {  	v11 =	vand.u32 $0x7F, v11;
	v10 =	vshll.u32 v12, $0x3;
	v17 =	vld [tilespmem:s10+$0x20];
	v3 =	vand.u32 $0xFFFFFC00, v3  }
0x11e: {  	v18 =	vld [tilespmem:s10+$0xFFFFFFC0];
	v10 =	vand.u32 $0xFFFFFC00, v10;
	v19 =	vshll.u32 v14, $0x3;
	v3 =	vor.u32 v11, v3  }
0x11f: {  	v11 =	vand.u32 $0x7F, v12;
	v12 =	vand.u32 $0xFFFFFC00, v19;
	v19 =	vshll.u32 v13, $0x3;
	v8 =	vld.idx.msk [tilespmem:v8+s16+$0x0], $0xffff  }
0x120: {  	v14 =	vand.u32 $0x7F, v14;
	v19 =	vand.u32 $0xFFFFFC00, v19;
	v20 =	vshll.u32 v15, $0x3;
	v9 =	vld.idx.msk [tilespmem:v9+s16+$0x0], $0xffff  }
0x121: {  	v13 =	vand.u32 $0x7F, v13;
	v20 =	vand.u32 $0xFFFFFC00, v20;
	v21 =	vshll.u32 v16, $0x3;
	v7 =	vld.idx.msk [tilespmem:v7+s16+$0x0], $0xffff  }
0x122: {  	v15 =	vand.u32 $0x7F, v15;
	v21 =	vand.u32 $0xFFFFFC00, v21;
	v22 =	vshll.u32 v17, $0x3;
	v6 =	vld.idx.msk [tilespmem:v6+s16+$0x0], $0xffff  }
0x123: {  	v23 =	vand.u32 $0x7F, v18;
	v18 =	vshll.u32 v18, $0x3;
	v22 =	vand.u32 $0xFFFFFC00, v22;
	v24 =	vld.idx.msk [tilespmem:v3+s16+$0x0], $0xffff  }
0x124: {  	v16 =	vand.u32 $0x7F, v16;
	v17 =	vand.u32 $0x7F, v17;
	v18 =	vand.u32 $0xFFFFFC00, v18;
	v5 =	vld.idx.msk [tilespmem:v5+s16+$0x0], $0xffff  }
0x125: {  	v25 =	vor.u32 v11, v10;
	v10 =	vor.u32 $0x80, v3;
	v23 =	vor.u32 v23, v18;
	v4 =	vld.idx.msk [tilespmem:v4+s16+$0x0], $0xffff;
	[tilespmem:s2+$0x150] =	vst v8  }
0x126: {  	v26 =	vor.u32 v14, v12;
	v27 =	vor.u32 v13, v19;
	v28 =	vor.u32 v15, v20;
	[tilespmem:s2+$0x160] =	vst v9  }
0x127: {  	v21 =	vor.u32 v16, v21;
	v22 =	vor.u32 v17, v22;
	v8 =	vor.u32 $0x80, v23;
	[tilespmem:s2+$0x180] =	vst v7;
	v2 =	vld.idx.msk [tilespmem:v2+s16+$0x0], $0xffff  }
0x128: {  	v29 =	vor.u32 $0x80, v27;
	v9 =	vor.u32 $0x80, v26;
	v7 =	vor.u32 $0x80, v25;
	s2 =	sadd.s32 $0x400, s2;
	[tilespmem:s3+$0x190] =	vst v6;
	v1 =	vld.idx.msk [tilespmem:v1+s16+$0x0], $0xffff  }
0x129: {  	v30 =	vor.u32 $0x80, v28;
	v31 =	vor.u32 $0x80, v21;
	v32 =	vor.u32 $0x80, v22;
	[tilespmem:s2+$0xFFFFFE70] =	vst v24;
	v0 =	vld.idx.msk [tilespmem:v0+s16+$0x0], $0xffff  }
0x12a: {  	v33 =	vor.u32 $0x100, v25;
	v34 =	vor.u32 $0x100, v26;
	v24 =	vor.u32 $0x100, v23;
	v6 =	vld.idx.msk [tilespmem:v10+s16+$0x0], $0xffff;
	[tilespmem:s3+$0x1A0] =	vst v5  }
0x12b: {  	v35 =	vor.u32 $0x100, v27;
	v36 =	vor.u32 $0x100, v28;
	v37 =	vor.u32 $0x100, v21;
	v5 =	vld.idx.msk [tilespmem:v23+s16+$0x0], $0xffff;
	[tilespmem:s3+$0x1B0] =	vst v4  }
0x12c: {  	v39 =	vor.u32 $0x100, v22;
	v38 =	vor.u32 $0x180, v23;
	v10 =	vor.u32 $0x100, v3;
	v4 =	vld.idx.msk [tilespmem:v25+s16+$0x0], $0xffff  }
0x12d: {  	v40 =	vor.u32 $0x180, v25;
	v41 =	vor.u32 $0x180, v26;
	v42 =	vor.u32 $0x180, v27;
	v11 =	vld.idx.msk [tilespmem:v26+s16+$0x0], $0xffff;
	[tilespmem:s3+$0x1C0] =	vst v2  }
0x12e: {  	v43 =	vor.u32 $0x180, v28;
	v44 =	vor.u32 $0x180, v21;
	v45 =	vor.u32 $0x180, v22;
	v2 =	vld.idx.msk [tilespmem:v27+s16+$0x0], $0xffff;
	[tilespmem:s3+$0x1D0] =	vst v1  }
0x12f: {  	v47 =	vor.u32 $0x200, v25;
	v48 =	vor.u32 $0x200, v26;
	v46 =	vor.u32 $0x200, v23;
	v1 =	vld.idx.msk [tilespmem:v28+s16+$0x0], $0xffff;
	[tilespmem:s3+$0x1E0] =	vst v0;
	s3 =	smov.u32 s2  }
0x130: {  	v49 =	vor.u32 $0x200, v27;
	v50 =	vor.u32 $0x200, v28;
	v51 =	vor.u32 $0x200, v21;
	v0 =	vld.idx.msk [tilespmem:v21+s16+$0x0], $0xffff;
	[tilespmem:s2+$0xFFFFFEF0] =	vst v6  }
0x131: {  	v18 =	vor.u32 $0x280, v25;
	v53 =	vor.u32 $0x200, v22;
	v52 =	vor.u32 $0x280, v23;
	[tilespmem:s2+$0xFFFFFE00] =	vst v5;
	v54 =	vld.idx.msk [tilespmem:v10+s16+$0x0], $0xffff  }
0x132: {  	v20 =	vor.u32 $0x280, v26;
	v19 =	vor.u32 $0x280, v27;
	v15 =	vor.u32 $0x280, v28;
	[tilespmem:s2+$0xFFFFFE10] =	vst v4;
	v55 =	vld.idx.msk [tilespmem:v22+s16+$0x0], $0xffff  }
0x133: {  	v57 =	vor.u32 $0x180, v3;
	v17 =	vor.u32 $0x280, v21;
	v16 =	vor.u32 $0x280, v22;
	v56 =	vld.idx.msk [tilespmem:v8+s16+$0x0], $0xffff;
	[tilespmem:s2+$0xFFFFFE20] =	vst v11  }
0x134: {  	v13 =	vor.u32 $0x300, v25;
	v14 =	vor.u32 $0x300, v23;
	v10 =	vor.u32 $0x300, v26;
	v58 =	vld.idx.msk [tilespmem:v7+s16+$0x0], $0xffff;
	[tilespmem:s2+$0xFFFFFE30] =	vst v2  }
0x135: {  	v12 =	vor.u32 $0x300, v27;
	v11 =	vor.u32 $0x300, v28;
	v8 =	vor.u32 $0x300, v21;
	v59 =	vld.idx.msk [tilespmem:v9+s16+$0x0], $0xffff;
	[tilespmem:s2+$0xFFFFFE40] =	vst v1  }
0x136: {  	v6 =	vor.u32 $0x380, v25;
	v7 =	vor.u32 $0x380, v23;
	v9 =	vor.u32 $0x300, v22;
	v23 =	vld.idx.msk [tilespmem:v29+s16+$0x0], $0xffff;
	[tilespmem:s2+$0xFFFFFE50] =	vst v0  }
0x137: {  	v5 =	vor.u32 $0x380, v26;
	v4 =	vor.u32 $0x380, v27;
	v2 =	vor.u32 $0x380, v28;
	v25 =	vld.idx.msk [tilespmem:v30+s16+$0x0], $0xffff;
	[tilespmem:s2+$0xFFFFFF70] =	vst v54  }
0x138: {  	v1 =	vor.u32 $0x380, v21;
	v0 =	vor.u32 $0x380, v22;
	[tilespmem:s2+$0xFFFFFE60] =	vst v55;
	v21 =	vld.idx.msk [tilespmem:v57+s16+$0x0], $0xffff  }
0x139: {  	[tilespmem:s2+$0xFFFFFE80] =	vst v56;
	v22 =	vld.idx.msk [tilespmem:v31+s16+$0x0], $0xffff  }
0x13a: {  	v27 =	vor.u32 $0x200, v3;
	[tilespmem:s2+$0xFFFFFE90] =	vst v58;
	v26 =	vld.idx.msk [tilespmem:v32+s16+$0x0], $0xffff  }
0x13b: {  	v24 =	vld.idx.msk [tilespmem:v24+s16+$0x0], $0xffff;
	[tilespmem:s2+$0xFFFFFEA0] =	vst v59  }
0x13c: {  	v28 =	vld.idx.msk [tilespmem:v33+s16+$0x0], $0xffff;
	[tilespmem:s2+$0xFFFFFEB0] =	vst v23  }
0x13d: {  	v23 =	vld.idx.msk [tilespmem:v34+s16+$0x0], $0xffff;
	[tilespmem:s2+$0xFFFFFEC0] =	vst v25  }
0x13e: {  	v25 =	vld.idx.msk [tilespmem:v35+s16+$0x0], $0xffff;
	[tilespmem:s2+$0xFFFFFFF0] =	vst v21  }
0x13f: {  	[tilespmem:s2+$0xFFFFFED0] =	vst v22;
	v21 =	vld.idx.msk [tilespmem:v27+s16+$0x0], $0xffff  }
0x140: {  	v22 =	vld.idx.msk [tilespmem:v36+s16+$0x0], $0xffff;
	[tilespmem:s2+$0xFFFFFEE0] =	vst v26  }
0x141: {  	v26 =	vor.u32 $0x280, v3;
	[tilespmem:s2+$0xFFFFFF00] =	vst v24;
	v24 =	vld.idx.msk [tilespmem:v37+s16+$0x0], $0xffff  }
0x142: {  	[tilespmem:s2+$0xFFFFFF10] =	vst v28;
	v27 =	vld.idx.msk [tilespmem:v39+s16+$0x0], $0xffff  }
0x143: {  	v28 =	vld.idx.msk [tilespmem:v38+s16+$0x0], $0xffff;
	[tilespmem:s2+$0xFFFFFF20] =	vst v23  }
0x144: {  	v23 =	vld.idx.msk [tilespmem:v40+s16+$0x0], $0xffff;
	[tilespmem:s2+$0xFFFFFF30] =	vst v25  }
0x145: {  	v25 =	vld.idx.msk [tilespmem:v41+s16+$0x0], $0xffff;
	[tilespmem:s2+$0x70] =	vst v21  }
0x146: {  	[tilespmem:s2+$0xFFFFFF40] =	vst v22;
	v21 =	vld.idx.msk [tilespmem:v26+s16+$0x0], $0xffff  }
0x147: {  	v22 =	vld.idx.msk [tilespmem:v42+s16+$0x0], $0xffff;
	[tilespmem:s2+$0xFFFFFF50] =	vst v24  }
0x148: {  	v26 =	vor.u32 $0x300, v3;
	v24 =	vld.idx.msk [tilespmem:v43+s16+$0x0], $0xffff;
	[tilespmem:s2+$0xFFFFFF60] =	vst v27  }
0x149: {  	[tilespmem:s2+$0xFFFFFF80] =	vst v28;
	v27 =	vld.idx.msk [tilespmem:v44+s16+$0x0], $0xffff  }
0x14a: {  	[tilespmem:s2+$0xFFFFFF90] =	vst v23;
	v23 =	vld.idx.msk [tilespmem:v45+s16+$0x0], $0xffff  }
0x14b: {  	v28 =	vld.idx.msk [tilespmem:v46+s16+$0x0], $0xffff;
	[tilespmem:s2+$0xFFFFFFA0] =	vst v25  }
0x14c: {  	v25 =	vld.idx.msk [tilespmem:v47+s16+$0x0], $0xffff;
	[tilespmem:s2+$0xF0] =	vst v21  }
0x14d: {  	[tilespmem:s2+$0xFFFFFFB0] =	vst v22;
	v21 =	vld.idx.msk [tilespmem:v26+s16+$0x0], $0xffff  }
0x14e: {  	v22 =	vld.idx.msk [tilespmem:v48+s16+$0x0], $0xffff;
	[tilespmem:s2+$0xFFFFFFC0] =	vst v24  }
0x14f: {  	v3 =	vor.u32 $0x380, v3;
	v24 =	vld.idx.msk [tilespmem:v49+s16+$0x0], $0xffff;
	[tilespmem:s2+$0xFFFFFFD0] =	vst v27  }
0x150: {  	v26 =	vld.idx.msk [tilespmem:v50+s16+$0x0], $0xffff;
	[tilespmem:s2+$0xFFFFFFE0] =	vst v23  }
0x151: {  	[tilespmem:s2+$0x0] =	vst v28;
	v23 =	vld.idx.msk [tilespmem:v51+s16+$0x0], $0xffff  }
0x152: {  	[tilespmem:s2+$0x10] =	vst v25;
	v25 =	vld.idx.msk [tilespmem:v53+s16+$0x0], $0xffff  }
0x153: {  	v27 =	vld.idx.msk [tilespmem:v52+s16+$0x0], $0xffff;
	[tilespmem:s2+$0x170] =	vst v21  }
0x154: {  	[tilespmem:s2+$0x20] =	vst v22;
	v3 =	vld.idx.msk [tilespmem:v3+s16+$0x0], $0xffff  }
0x155: {  	v18 =	vld.idx.msk [tilespmem:v18+s16+$0x0], $0xffff;
	[tilespmem:s2+$0x30] =	vst v24  }
0x156: {  	v20 =	vld.idx.msk [tilespmem:v20+s16+$0x0], $0xffff;
	[tilespmem:s2+$0x40] =	vst v26  }
0x157: {  	v19 =	vld.idx.msk [tilespmem:v19+s16+$0x0], $0xffff;
	[tilespmem:s2+$0x50] =	vst v23  }
0x158: {  	v21 =	vld.idx.msk [tilespmem:v15+s16+$0x0], $0xffff;
	[tilespmem:s2+$0x60] =	vst v25  }
0x159: {  	[tilespmem:s2+$0x80] =	vst v27;
	v17 =	vld.idx.msk [tilespmem:v17+s16+$0x0], $0xffff  }
0x15a: {  	v15 =	vld.idx.msk [tilespmem:v16+s16+$0x0], $0xffff;
	[tilespmem:s2+$0x1F0] =	vst v3  }
.Ltmp3:
0x15b: {  	v14 =	vld.idx.msk [tilespmem:v14+s16+$0x0], $0xffff;
	[tilespmem:s2+$0x90] =	vst v18;
	(pc) =	sbr.rel @p2 .LBB2_5-.Ltmp3, $4  }
0x15c: {  	v13 =	vld.idx.msk [tilespmem:v13+s16+$0x0], $0xffff;
	[tilespmem:s2+$0xA0] =	vst v20  }
0x15d: {  	v16 =	vld.idx.msk [tilespmem:v10+s16+$0x0], $0xffff;
	[tilespmem:s2+$0xB0] =	vst v19  }
0x15e: {  	v3 =	vld.idx.msk [tilespmem:v12+s16+$0x0], $0xffff;
	[tilespmem:s2+$0xC0] =	vst v21  }
0x15f: {  	s10 =	sadd.s32 $0x80, s10;
	v10 =	vld.idx.msk [tilespmem:v11+s16+$0x0], $0xffff;
	[tilespmem:s2+$0xD0] =	vst v17  }
0x160: {  	_ =	sdelay $0x2  }
0x161: {  	[tilespmem:s2+$0xE0] =	vst v15  }
0x162: {  	[tilespmem:s2+$0x100] =	vst v14;
	v8 =	vld.idx.msk [tilespmem:v8+s16+$0x0], $0xffff  }
0x163: {  	[tilespmem:s2+$0x110] =	vst v13;
	v9 =	vld.idx.msk [tilespmem:v9+s16+$0x0], $0xffff  }
0x164: {  	v7 =	vld.idx.msk [tilespmem:v7+s16+$0x0], $0xffff;
	[tilespmem:s2+$0x120] =	vst v16  }
0x165: {  	v63 =	vld.idx.msk [tilespmem:v6+s16+$0x0], $0xffff;
	[tilespmem:s2+$0x130] =	vst v3  }
0x166: {  	v5 =	vld.idx.msk [tilespmem:v5+s16+$0x0], $0xffff;
	[tilespmem:s2+$0x140] =	vst v10  }
0x167: {  	v4 =	vld.idx.msk [tilespmem:v4+s16+$0x0], $0xffff;
	[tilespmem:s2+$0x150] =	vst v8  }
0x168: {  	v2 =	vld.idx.msk [tilespmem:v2+s16+$0x0], $0xffff;
	[tilespmem:s2+$0x160] =	vst v9  }
0x169: {  	[tilespmem:s2+$0x180] =	vst v7;
	v1 =	vld.idx.msk [tilespmem:v1+s16+$0x0], $0xffff  }
0x16a: {  	[tilespmem:s3+$0x190] =	vst v63;
	v0 =	vld.idx.msk [tilespmem:v0+s16+$0x0], $0xffff  }
0x16b: {  	[tilespmem:s3+$0x1A0] =	vst v5  }
.Ltmp4:
0x16c: {  	s0 =	sshll.u32 s0, $0xB;
	[tilespmem:s3+$0x1B0] =	vst v4;
	(pc) =	sbr.rel @p1 .LBB2_10-.Ltmp4, $4  }
0x16d: {  	s10 =	sadd.s32 s6, s0;
	[tilespmem:s3+$0x1C0] =	vst v2  }
0x16e: {  	s2 =	sshrl.u32 s10, $0x3;
	[tilespmem:s3+$0x1D0] =	vst v1  }
0x16f: {  	s2 =	sadd.s32 s5, s2;
	[tilespmem:s3+$0x1E0] =	vst v0  }
0x170: {  	[hbm4b:s2+s7] =	stream.linear.scatter [tilespmem:s22], [sflag:$0x5], $0x4000, $0x38;
	[tilespmem:$0x18800] =	vst v63  }
0x171: {  	s0 =	sadd.s32 s0, s11  }
0x172: {  	s0 =	sshrl.u32 s0, $0x3  }
0x173: {  	s0 =	sadd.s32 s1, s0  }
0x174: {  	[tilespmem:s16], [sflag:$0x2] =	stream.linear.gather [hbm4b:s0+s7], $0x4000, $0x38;
	[tilespmem:$0x18800] =	vst v63  }
0x175: {  	_ =	swait.ge [sflag:s26], $0x4000  }
0x176: {  	[sflag:s26] =	ssyncset.done $0x0  }
0x177: {  	s0 =	simm.s32 @!p0 $0x6;
	[sflag:s26] =	ssyncadd.s32 $0xFFFFC000  }
0x178: {  	_ =	swait.ge @!p0 [sflag:s0], $0x4000  }
0x179: {  	[sflag:s0] =	ssyncset.done @!p0 $0x0  }
0x17a: {  	s10 =	simm.s32 $0x40;
	[sflag:s0] =	ssyncadd.s32 @!p0 $0xFFFFC000  }
0x17b: {  	v0 =	vld [tilespmem:s10+$0x30]  }
0x17c: {  	v1 =	vld [tilespmem:s10+$0xFFFFFFD0]  }
0x17d: {  	v6 =	vld [tilespmem:s10+$0xFFFFFFF0]  }
0x17e: {  	v3 =	vld [tilespmem:s10+$0xFFFFFFE0]  }
0x17f: {  	v5 =	vld [tilespmem:s10+$0xFFFFFFC0]  }
0x180: {  	v2 =	vshll.u32 v0, $0x3  }
0x181: {  	v0 =	vand.u32 $0x7F, v0;
	v2 =	vand.u32 $0xFFFFFC00, v2  }
0x182: {  	v13 =	vshll.u32 v6, $0x3;
	v4 =	vor.u32 v0, v2;
	v0 =	vshll.u32 v1, $0x3  }
0x183: {  	v6 =	vand.u32 $0x7F, v6;
	v2 =	vand.u32 $0xFFFFFC00, v0;
	v0 =	vshll.u32 v3, $0x3  }
0x184: {  	v8 =	vld [tilespmem:s10+$0x10];
	v1 =	vand.u32 $0x7F, v1;
	v9 =	vand.u32 $0xFFFFFC00, v0;
	v0 =	vshll.u32 v5, $0x3  }
0x185: {  	v7 =	vld [tilespmem:s10+$0x0];
	v5 =	vand.u32 $0x7F, v5;
	v2 =	vor.u32 v1, v2;
	v0 =	vand.u32 $0xFFFFFC00, v0  }
0x186: {  	v3 =	vand.u32 $0x7F, v3;
	v0 =	vor.u32 v5, v0;
	v5 =	vand.u32 $0xFFFFFC00, v13  }
0x187: {  	v1 =	vor.u32 v3, v9;
	v10 =	vld.idx.msk [tilespmem:v4+s17+$0x0], $0xffff;
	v3 =	vor.u32 v6, v5  }
0x188: {  	v12 =	vld [tilespmem:s10+$0x20];
	v11 =	vor.u32 $0x80, v4  }
0x189: {  	v9 =	vshll.u32 v8, $0x3  }
0x18a: {  	v13 =	vshll.u32 v7, $0x3;
	v5 =	vand.u32 $0xFFFFFC00, v9;
	v9 =	vld.idx.msk [tilespmem:v2+s17+$0x0], $0xffff  }
0x18b: {  	s2 =	simm.s32 $0x14A00;
	v15 =	vor.u32 $0x80, v2;
	v7 =	vand.u32 $0x7F, v7;
	v13 =	vand.u32 $0xFFFFFC00, v13  }
0x18c: {  	v6 =	vand.u32 $0x7F, v8;
	[tilespmem:s2+$0xFFFFFE70] =	vst v10;
	v10 =	vor.u32 v7, v13;
	v14 =	vld.idx.msk [tilespmem:v3+s17+$0x0], $0xffff  }
0x18d: {  	v8 =	vshll.u32 v12, $0x3;
	v7 =	vld.idx.msk [tilespmem:v11+s17+$0x0], $0xffff;
	v11 =	vor.u32 v6, v5  }
0x18e: {  	v13 =	vor.u32 $0x100, v4;
	v5 =	vld.idx.msk [tilespmem:v0+s17+$0x0], $0xffff;
	v6 =	vand.u32 $0xFFFFFC00, v8;
	v8 =	vand.u32 $0x7F, v12  }
0x18f: {  	v12 =	vor.u32 v8, v6;
	v6 =	vld.idx.msk [tilespmem:v1+s17+$0x0], $0xffff;
	v8 =	vor.u32 $0x80, v0;
	[tilespmem:s2+$0xFFFFFE10] =	vst v9  }
0x190: {  	v15 =	vld.idx.msk [tilespmem:v15+s17+$0x0], $0xffff  }
0x191: {  	v17 =	vor.u32 $0x80, v1;
	v16 =	vld.idx.msk [tilespmem:v10+s17+$0x0], $0xffff  }
0x192: {  	v18 =	vld.idx.msk [tilespmem:v11+s17+$0x0], $0xffff;
	[tilespmem:s2+$0xFFFFFEF0] =	vst v7;
	v7 =	vor.u32 $0x80, v3  }
0x193: {  	[tilespmem:s2+$0xFFFFFE00] =	vst v5;
	v5 =	vld.idx.msk [tilespmem:v13+s17+$0x0], $0xffff;
	v13 =	vor.u32 $0x80, v10  }
0x194: {  	v19 =	vor.u32 $0x80, v11;
	[tilespmem:s2+$0xFFFFFE30] =	vst v14;
	v8 =	vld.idx.msk [tilespmem:v8+s17+$0x0], $0xffff  }
0x195: {  	v9 =	vld.idx.msk [tilespmem:v12+s17+$0x0], $0xffff;
	[tilespmem:s2+$0xFFFFFE20] =	vst v6;
	v6 =	vor.u32 $0x180, v4  }
0x196: {  	v14 =	vor.u32 $0x80, v12;
	v17 =	vld.idx.msk [tilespmem:v17+s17+$0x0], $0xffff;
	[tilespmem:s2+$0xFFFFFE40] =	vst v16  }
0x197: {  	v16 =	vor.u32 $0x100, v0;
	v7 =	vld.idx.msk [tilespmem:v7+s17+$0x0], $0xffff;
	[tilespmem:s2+$0xFFFFFE50] =	vst v18  }
0x198: {  	v18 =	vor.u32 $0x100, v2;
	v13 =	vld.idx.msk [tilespmem:v13+s17+$0x0], $0xffff;
	[tilespmem:s2+$0xFFFFFF70] =	vst v5  }
0x199: {  	v5 =	vor.u32 $0x100, v1;
	[tilespmem:s2+$0xFFFFFE80] =	vst v8;
	v8 =	vld.idx.msk [tilespmem:v19+s17+$0x0], $0xffff  }
0x19a: {  	[tilespmem:s2+$0xFFFFFE60] =	vst v9;
	v9 =	vor.u32 $0x100, v3;
	v6 =	vld.idx.msk [tilespmem:v6+s17+$0x0], $0xffff  }
0x19b: {  	[tilespmem:s2+$0xFFFFFE90] =	vst v15;
	v19 =	vor.u32 $0x100, v10;
	v14 =	vld.idx.msk [tilespmem:v14+s17+$0x0], $0xffff  }
0x19c: {  	[tilespmem:s2+$0xFFFFFEA0] =	vst v17;
	v17 =	vor.u32 $0x100, v11;
	v16 =	vld.idx.msk [tilespmem:v16+s17+$0x0], $0xffff  }
0x19d: {  	v15 =	vor.u32 $0x200, v4;
	v18 =	vld.idx.msk [tilespmem:v18+s17+$0x0], $0xffff;
	[tilespmem:s2+$0xFFFFFEB0] =	vst v7  }
0x19e: {  	v7 =	vor.u32 $0x100, v12;
	v5 =	vld.idx.msk [tilespmem:v5+s17+$0x0], $0xffff;
	[tilespmem:s2+$0xFFFFFEC0] =	vst v13  }
0x19f: {  	v13 =	vor.u32 $0x180, v0;
	v9 =	vld.idx.msk [tilespmem:v9+s17+$0x0], $0xffff;
	[tilespmem:s2+$0xFFFFFED0] =	vst v8  }
0x1a0: {  	[tilespmem:s2+$0xFFFFFFF0] =	vst v6;
	v6 =	vor.u32 $0x180, v2;
	v19 =	vld.idx.msk [tilespmem:v19+s17+$0x0], $0xffff  }
0x1a1: {  	[tilespmem:s2+$0xFFFFFEE0] =	vst v14;
	v14 =	vld.idx.msk [tilespmem:v17+s17+$0x0], $0xffff;
	v17 =	vor.u32 $0x180, v3  }
0x1a2: {  	v8 =	vld.idx.msk [tilespmem:v15+s17+$0x0], $0xffff;
	v15 =	vor.u32 $0x180, v1;
	[tilespmem:s2+$0xFFFFFF00] =	vst v16  }
0x1a3: {  	v16 =	vor.u32 $0x280, v4;
	[tilespmem:s2+$0xFFFFFF10] =	vst v18;
	v7 =	vld.idx.msk [tilespmem:v7+s17+$0x0], $0xffff  }
0x1a4: {  	v18 =	vor.u32 $0x180, v10;
	v13 =	vld.idx.msk [tilespmem:v13+s17+$0x0], $0xffff;
	[tilespmem:s2+$0xFFFFFF20] =	vst v5  }
0x1a5: {  	v5 =	vor.u32 $0x180, v11;
	[tilespmem:s2+$0xFFFFFF30] =	vst v9;
	v6 =	vld.idx.msk [tilespmem:v6+s17+$0x0], $0xffff  }
0x1a6: {  	v9 =	vor.u32 $0x180, v12;
	[tilespmem:s2+$0xFFFFFF40] =	vst v19;
	v17 =	vld.idx.msk [tilespmem:v17+s17+$0x0], $0xffff  }
0x1a7: {  	v15 =	vld.idx.msk [tilespmem:v15+s17+$0x0], $0xffff;
	[tilespmem:s2+$0x70] =	vst v8;
	v8 =	vor.u32 $0x200, v0  }
0x1a8: {  	v19 =	vor.u32 $0x200, v2;
	[tilespmem:s2+$0xFFFFFF50] =	vst v14;
	v16 =	vld.idx.msk [tilespmem:v16+s17+$0x0], $0xffff  }
0x1a9: {  	v14 =	vld.idx.msk [tilespmem:v18+s17+$0x0], $0xffff;
	[tilespmem:s2+$0xFFFFFF60] =	vst v7;
	v7 =	vor.u32 $0x300, v4  }
0x1aa: {  	v18 =	vor.u32 $0x200, v1;
	[tilespmem:s2+$0xFFFFFF80] =	vst v13;
	v5 =	vld.idx.msk [tilespmem:v5+s17+$0x0], $0xffff  }
0x1ab: {  	v13 =	vor.u32 $0x200, v3;
	[tilespmem:s2+$0xFFFFFF90] =	vst v6;
	v6 =	vld.idx.msk [tilespmem:v9+s17+$0x0], $0xffff  }
0x1ac: {  	v9 =	vor.u32 $0x200, v10;
	v8 =	vld.idx.msk [tilespmem:v8+s17+$0x0], $0xffff;
	[tilespmem:s2+$0xFFFFFFA0] =	vst v15  }
0x1ad: {  	v15 =	vor.u32 $0x200, v11;
	v19 =	vld.idx.msk [tilespmem:v19+s17+$0x0], $0xffff;
	[tilespmem:s2+$0xF0] =	vst v16  }
0x1ae: {  	[tilespmem:s2+$0xFFFFFFB0] =	vst v17;
	v16 =	vor.u32 $0x200, v12;
	v7 =	vld.idx.msk [tilespmem:v7+s17+$0x0], $0xffff  }
0x1af: {  	v17 =	vor.u32 $0x280, v0;
	v18 =	vld.idx.msk [tilespmem:v18+s17+$0x0], $0xffff;
	[tilespmem:s2+$0xFFFFFFC0] =	vst v14  }
0x1b0: {  	v4 =	vor.u32 $0x380, v4;
	v13 =	vld.idx.msk [tilespmem:v13+s17+$0x0], $0xffff;
	[tilespmem:s2+$0xFFFFFFD0] =	vst v5  }
0x1b1: {  	v5 =	vor.u32 $0x280, v2;
	v9 =	vld.idx.msk [tilespmem:v9+s17+$0x0], $0xffff;
	[tilespmem:s2+$0xFFFFFFE0] =	vst v6  }
0x1b2: {  	v6 =	vor.u32 $0x280, v1;
	[tilespmem:s2+$0x0] =	vst v8;
	v8 =	vld.idx.msk [tilespmem:v15+s17+$0x0], $0xffff  }
0x1b3: {  	v14 =	vor.u32 $0x280, v3;
	[tilespmem:s2+$0x10] =	vst v19;
	v15 =	vld.idx.msk [tilespmem:v16+s17+$0x0], $0xffff  }
0x1b4: {  	v16 =	vor.u32 $0x280, v10;
	v17 =	vld.idx.msk [tilespmem:v17+s17+$0x0], $0xffff;
	[tilespmem:s2+$0x170] =	vst v7  }
0x1b5: {  	v7 =	vor.u32 $0x280, v11;
	[tilespmem:s2+$0x20] =	vst v18;
	v4 =	vld.idx.msk [tilespmem:v4+s17+$0x0], $0xffff  }
0x1b6: {  	v18 =	vor.u32 $0x280, v12;
	v5 =	vld.idx.msk [tilespmem:v5+s17+$0x0], $0xffff;
	[tilespmem:s2+$0x30] =	vst v13  }
0x1b7: {  	v13 =	vor.u32 $0x300, v0;
	v6 =	vld.idx.msk [tilespmem:v6+s17+$0x0], $0xffff;
	[tilespmem:s2+$0x40] =	vst v9  }
0x1b8: {  	v9 =	vor.u32 $0x300, v2;
	v19 =	vld.idx.msk [tilespmem:v14+s17+$0x0], $0xffff;
	[tilespmem:s2+$0x50] =	vst v8  }
0x1b9: {  	v20 =	vor.u32 $0x300, v1;
	v21 =	vld.idx.msk [tilespmem:v16+s17+$0x0], $0xffff;
	[tilespmem:s2+$0x60] =	vst v15  }
0x1ba: {  	v22 =	vor.u32 $0x300, v3;
	[tilespmem:s2+$0x80] =	vst v17;
	v17 =	vld.idx.msk [tilespmem:v7+s17+$0x0], $0xffff  }
0x1bb: {  	v23 =	vor.u32 $0x300, v10;
	v15 =	vld.idx.msk [tilespmem:v18+s17+$0x0], $0xffff;
	[tilespmem:s2+$0x1F0] =	vst v4  }
0x1bc: {  	v14 =	vld.idx.msk [tilespmem:v13+s17+$0x0], $0xffff;
	[tilespmem:s2+$0x90] =	vst v5  }
0x1bd: {  	v13 =	vld.idx.msk [tilespmem:v9+s17+$0x0], $0xffff;
	[tilespmem:s2+$0xA0] =	vst v6  }
0x1be: {  	v8 =	vor.u32 $0x300, v11;
	v7 =	vor.u32 $0x380, v0;
	v0 =	vor.u32 $0x380, v12;
	[tilespmem:s2+$0xB0] =	vst v19;
	v16 =	vld.idx.msk [tilespmem:v20+s17+$0x0], $0xffff  }
0x1bf: {  	s9 =	simm.s32 $0x0;
	v5 =	vor.u32 $0x380, v1;
	v4 =	vor.u32 $0x380, v3;
	v1 =	vor.u32 $0x380, v11;
	v3 =	vld.idx.msk [tilespmem:v22+s17+$0x0], $0xffff;
	[tilespmem:s2+$0xC0] =	vst v21  }
0x1c0: {  	s3 =	simm.s32 $0x14A00;
	s0 =	sadd.s32 s31, s13;
	s10 =	simm.s32 $0xC0;
	v6 =	vor.u32 $0x380, v2;
	v9 =	vor.u32 $0x300, v12;
	v2 =	vor.u32 $0x380, v10;
	v10 =	vld.idx.msk [tilespmem:v23+s17+$0x0], $0xffff;
	[tilespmem:s2+$0xD0] =	vst v17  }
.LBB2_8:
0x1c1: {  	v11 =	vld [tilespmem:s10+$0x30];
	s9 =	sadd.s32 $0x8, s9;
	[tilespmem:s2+$0xE0] =	vst v15  }
0x1c2: {  	v12 =	vld [tilespmem:s10+$0xFFFFFFD0];
	p0 =	slt.u32 s9, $0x78;
	[tilespmem:s2+$0x100] =	vst v14  }
0x1c3: {  	v14 =	vld [tilespmem:s10+$0xFFFFFFE0];
	[tilespmem:s2+$0x110] =	vst v13  }
0x1c4: {  	v13 =	vld [tilespmem:s10+$0xFFFFFFF0];
	[tilespmem:s2+$0x120] =	vst v16  }
0x1c5: {  	v15 =	vld [tilespmem:s10+$0x0];
	[tilespmem:s2+$0x130] =	vst v3  }
0x1c6: {  	v16 =	vld [tilespmem:s10+$0x10];
	v3 =	vshll.u32 v11, $0x3;
	[tilespmem:s2+$0x140] =	vst v10  }
0x1c7: {  	v11 =	vand.u32 $0x7F, v11;
	v10 =	vshll.u32 v12, $0x3;
	v17 =	vld [tilespmem:s10+$0x20];
	v3 =	vand.u32 $0xFFFFFC00, v3  }
0x1c8: {  	v18 =	vld [tilespmem:s10+$0xFFFFFFC0];
	v10 =	vand.u32 $0xFFFFFC00, v10;
	v19 =	vshll.u32 v14, $0x3;
	v3 =	vor.u32 v11, v3  }
0x1c9: {  	v11 =	vand.u32 $0x7F, v12;
	v12 =	vand.u32 $0xFFFFFC00, v19;
	v19 =	vshll.u32 v13, $0x3;
	v8 =	vld.idx.msk [tilespmem:v8+s17+$0x0], $0xffff  }
0x1ca: {  	v14 =	vand.u32 $0x7F, v14;
	v19 =	vand.u32 $0xFFFFFC00, v19;
	v20 =	vshll.u32 v15, $0x3;
	v9 =	vld.idx.msk [tilespmem:v9+s17+$0x0], $0xffff  }
0x1cb: {  	v13 =	vand.u32 $0x7F, v13;
	v20 =	vand.u32 $0xFFFFFC00, v20;
	v21 =	vshll.u32 v16, $0x3;
	v7 =	vld.idx.msk [tilespmem:v7+s17+$0x0], $0xffff  }
0x1cc: {  	v15 =	vand.u32 $0x7F, v15;
	v21 =	vand.u32 $0xFFFFFC00, v21;
	v22 =	vshll.u32 v17, $0x3;
	v6 =	vld.idx.msk [tilespmem:v6+s17+$0x0], $0xffff  }
0x1cd: {  	v23 =	vand.u32 $0x7F, v18;
	v18 =	vshll.u32 v18, $0x3;
	v22 =	vand.u32 $0xFFFFFC00, v22;
	v24 =	vld.idx.msk [tilespmem:v3+s17+$0x0], $0xffff  }
0x1ce: {  	v16 =	vand.u32 $0x7F, v16;
	v17 =	vand.u32 $0x7F, v17;
	v18 =	vand.u32 $0xFFFFFC00, v18;
	v5 =	vld.idx.msk [tilespmem:v5+s17+$0x0], $0xffff  }
0x1cf: {  	v25 =	vor.u32 v11, v10;
	v10 =	vor.u32 $0x80, v3;
	v23 =	vor.u32 v23, v18;
	v4 =	vld.idx.msk [tilespmem:v4+s17+$0x0], $0xffff;
	[tilespmem:s2+$0x150] =	vst v8  }
0x1d0: {  	v26 =	vor.u32 v14, v12;
	v27 =	vor.u32 v13, v19;
	v28 =	vor.u32 v15, v20;
	[tilespmem:s2+$0x160] =	vst v9  }
0x1d1: {  	v21 =	vor.u32 v16, v21;
	v22 =	vor.u32 v17, v22;
	v8 =	vor.u32 $0x80, v23;
	[tilespmem:s2+$0x180] =	vst v7;
	v2 =	vld.idx.msk [tilespmem:v2+s17+$0x0], $0xffff  }
0x1d2: {  	v29 =	vor.u32 $0x80, v27;
	v9 =	vor.u32 $0x80, v26;
	v7 =	vor.u32 $0x80, v25;
	s2 =	sadd.s32 $0x400, s2;
	[tilespmem:s3+$0x190] =	vst v6;
	v1 =	vld.idx.msk [tilespmem:v1+s17+$0x0], $0xffff  }
0x1d3: {  	v30 =	vor.u32 $0x80, v28;
	v31 =	vor.u32 $0x80, v21;
	v32 =	vor.u32 $0x80, v22;
	[tilespmem:s2+$0xFFFFFE70] =	vst v24;
	v0 =	vld.idx.msk [tilespmem:v0+s17+$0x0], $0xffff  }
0x1d4: {  	v33 =	vor.u32 $0x100, v25;
	v34 =	vor.u32 $0x100, v26;
	v24 =	vor.u32 $0x100, v23;
	v6 =	vld.idx.msk [tilespmem:v10+s17+$0x0], $0xffff;
	[tilespmem:s3+$0x1A0] =	vst v5  }
0x1d5: {  	v35 =	vor.u32 $0x100, v27;
	v36 =	vor.u32 $0x100, v28;
	v37 =	vor.u32 $0x100, v21;
	v5 =	vld.idx.msk [tilespmem:v23+s17+$0x0], $0xffff;
	[tilespmem:s3+$0x1B0] =	vst v4  }
0x1d6: {  	v39 =	vor.u32 $0x100, v22;
	v38 =	vor.u32 $0x180, v23;
	v10 =	vor.u32 $0x100, v3;
	v4 =	vld.idx.msk [tilespmem:v25+s17+$0x0], $0xffff  }
0x1d7: {  	v40 =	vor.u32 $0x180, v25;
	v41 =	vor.u32 $0x180, v26;
	v42 =	vor.u32 $0x180, v27;
	v11 =	vld.idx.msk [tilespmem:v26+s17+$0x0], $0xffff;
	[tilespmem:s3+$0x1C0] =	vst v2  }
0x1d8: {  	v43 =	vor.u32 $0x180, v28;
	v44 =	vor.u32 $0x180, v21;
	v45 =	vor.u32 $0x180, v22;
	v2 =	vld.idx.msk [tilespmem:v27+s17+$0x0], $0xffff;
	[tilespmem:s3+$0x1D0] =	vst v1  }
0x1d9: {  	v47 =	vor.u32 $0x200, v25;
	v48 =	vor.u32 $0x200, v26;
	v46 =	vor.u32 $0x200, v23;
	v1 =	vld.idx.msk [tilespmem:v28+s17+$0x0], $0xffff;
	[tilespmem:s3+$0x1E0] =	vst v0;
	s3 =	smov.u32 s2  }
0x1da: {  	v49 =	vor.u32 $0x200, v27;
	v50 =	vor.u32 $0x200, v28;
	v51 =	vor.u32 $0x200, v21;
	v0 =	vld.idx.msk [tilespmem:v21+s17+$0x0], $0xffff;
	[tilespmem:s2+$0xFFFFFEF0] =	vst v6  }
0x1db: {  	v18 =	vor.u32 $0x280, v25;
	v53 =	vor.u32 $0x200, v22;
	v52 =	vor.u32 $0x280, v23;
	[tilespmem:s2+$0xFFFFFE00] =	vst v5;
	v54 =	vld.idx.msk [tilespmem:v10+s17+$0x0], $0xffff  }
0x1dc: {  	v20 =	vor.u32 $0x280, v26;
	v19 =	vor.u32 $0x280, v27;
	v15 =	vor.u32 $0x280, v28;
	[tilespmem:s2+$0xFFFFFE10] =	vst v4;
	v55 =	vld.idx.msk [tilespmem:v22+s17+$0x0], $0xffff  }
0x1dd: {  	v57 =	vor.u32 $0x180, v3;
	v17 =	vor.u32 $0x280, v21;
	v16 =	vor.u32 $0x280, v22;
	v56 =	vld.idx.msk [tilespmem:v8+s17+$0x0], $0xffff;
	[tilespmem:s2+$0xFFFFFE20] =	vst v11  }
0x1de: {  	v13 =	vor.u32 $0x300, v25;
	v14 =	vor.u32 $0x300, v23;
	v10 =	vor.u32 $0x300, v26;
	v58 =	vld.idx.msk [tilespmem:v7+s17+$0x0], $0xffff;
	[tilespmem:s2+$0xFFFFFE30] =	vst v2  }
0x1df: {  	v12 =	vor.u32 $0x300, v27;
	v11 =	vor.u32 $0x300, v28;
	v8 =	vor.u32 $0x300, v21;
	v59 =	vld.idx.msk [tilespmem:v9+s17+$0x0], $0xffff;
	[tilespmem:s2+$0xFFFFFE40] =	vst v1  }
0x1e0: {  	v6 =	vor.u32 $0x380, v25;
	v7 =	vor.u32 $0x380, v23;
	v9 =	vor.u32 $0x300, v22;
	v23 =	vld.idx.msk [tilespmem:v29+s17+$0x0], $0xffff;
	[tilespmem:s2+$0xFFFFFE50] =	vst v0  }
0x1e1: {  	v5 =	vor.u32 $0x380, v26;
	v4 =	vor.u32 $0x380, v27;
	v2 =	vor.u32 $0x380, v28;
	v25 =	vld.idx.msk [tilespmem:v30+s17+$0x0], $0xffff;
	[tilespmem:s2+$0xFFFFFF70] =	vst v54  }
0x1e2: {  	v1 =	vor.u32 $0x380, v21;
	v0 =	vor.u32 $0x380, v22;
	[tilespmem:s2+$0xFFFFFE60] =	vst v55;
	v21 =	vld.idx.msk [tilespmem:v57+s17+$0x0], $0xffff  }
0x1e3: {  	[tilespmem:s2+$0xFFFFFE80] =	vst v56;
	v22 =	vld.idx.msk [tilespmem:v31+s17+$0x0], $0xffff  }
0x1e4: {  	v27 =	vor.u32 $0x200, v3;
	[tilespmem:s2+$0xFFFFFE90] =	vst v58;
	v26 =	vld.idx.msk [tilespmem:v32+s17+$0x0], $0xffff  }
0x1e5: {  	v24 =	vld.idx.msk [tilespmem:v24+s17+$0x0], $0xffff;
	[tilespmem:s2+$0xFFFFFEA0] =	vst v59  }
0x1e6: {  	v28 =	vld.idx.msk [tilespmem:v33+s17+$0x0], $0xffff;
	[tilespmem:s2+$0xFFFFFEB0] =	vst v23  }
0x1e7: {  	v23 =	vld.idx.msk [tilespmem:v34+s17+$0x0], $0xffff;
	[tilespmem:s2+$0xFFFFFEC0] =	vst v25  }
0x1e8: {  	v25 =	vld.idx.msk [tilespmem:v35+s17+$0x0], $0xffff;
	[tilespmem:s2+$0xFFFFFFF0] =	vst v21  }
0x1e9: {  	[tilespmem:s2+$0xFFFFFED0] =	vst v22;
	v21 =	vld.idx.msk [tilespmem:v27+s17+$0x0], $0xffff  }
0x1ea: {  	v22 =	vld.idx.msk [tilespmem:v36+s17+$0x0], $0xffff;
	[tilespmem:s2+$0xFFFFFEE0] =	vst v26  }
0x1eb: {  	v26 =	vor.u32 $0x280, v3;
	[tilespmem:s2+$0xFFFFFF00] =	vst v24;
	v24 =	vld.idx.msk [tilespmem:v37+s17+$0x0], $0xffff  }
0x1ec: {  	[tilespmem:s2+$0xFFFFFF10] =	vst v28;
	v27 =	vld.idx.msk [tilespmem:v39+s17+$0x0], $0xffff  }
0x1ed: {  	v28 =	vld.idx.msk [tilespmem:v38+s17+$0x0], $0xffff;
	[tilespmem:s2+$0xFFFFFF20] =	vst v23  }
0x1ee: {  	v23 =	vld.idx.msk [tilespmem:v40+s17+$0x0], $0xffff;
	[tilespmem:s2+$0xFFFFFF30] =	vst v25  }
0x1ef: {  	v25 =	vld.idx.msk [tilespmem:v41+s17+$0x0], $0xffff;
	[tilespmem:s2+$0x70] =	vst v21  }
0x1f0: {  	[tilespmem:s2+$0xFFFFFF40] =	vst v22;
	v21 =	vld.idx.msk [tilespmem:v26+s17+$0x0], $0xffff  }
0x1f1: {  	v22 =	vld.idx.msk [tilespmem:v42+s17+$0x0], $0xffff;
	[tilespmem:s2+$0xFFFFFF50] =	vst v24  }
0x1f2: {  	v26 =	vor.u32 $0x300, v3;
	v24 =	vld.idx.msk [tilespmem:v43+s17+$0x0], $0xffff;
	[tilespmem:s2+$0xFFFFFF60] =	vst v27  }
0x1f3: {  	[tilespmem:s2+$0xFFFFFF80] =	vst v28;
	v27 =	vld.idx.msk [tilespmem:v44+s17+$0x0], $0xffff  }
0x1f4: {  	[tilespmem:s2+$0xFFFFFF90] =	vst v23;
	v23 =	vld.idx.msk [tilespmem:v45+s17+$0x0], $0xffff  }
0x1f5: {  	v28 =	vld.idx.msk [tilespmem:v46+s17+$0x0], $0xffff;
	[tilespmem:s2+$0xFFFFFFA0] =	vst v25  }
0x1f6: {  	v25 =	vld.idx.msk [tilespmem:v47+s17+$0x0], $0xffff;
	[tilespmem:s2+$0xF0] =	vst v21  }
0x1f7: {  	[tilespmem:s2+$0xFFFFFFB0] =	vst v22;
	v21 =	vld.idx.msk [tilespmem:v26+s17+$0x0], $0xffff  }
0x1f8: {  	v22 =	vld.idx.msk [tilespmem:v48+s17+$0x0], $0xffff;
	[tilespmem:s2+$0xFFFFFFC0] =	vst v24  }
0x1f9: {  	v3 =	vor.u32 $0x380, v3;
	v24 =	vld.idx.msk [tilespmem:v49+s17+$0x0], $0xffff;
	[tilespmem:s2+$0xFFFFFFD0] =	vst v27  }
0x1fa: {  	v26 =	vld.idx.msk [tilespmem:v50+s17+$0x0], $0xffff;
	[tilespmem:s2+$0xFFFFFFE0] =	vst v23  }
0x1fb: {  	[tilespmem:s2+$0x0] =	vst v28;
	v23 =	vld.idx.msk [tilespmem:v51+s17+$0x0], $0xffff  }
0x1fc: {  	[tilespmem:s2+$0x10] =	vst v25;
	v25 =	vld.idx.msk [tilespmem:v53+s17+$0x0], $0xffff  }
0x1fd: {  	v27 =	vld.idx.msk [tilespmem:v52+s17+$0x0], $0xffff;
	[tilespmem:s2+$0x170] =	vst v21  }
0x1fe: {  	[tilespmem:s2+$0x20] =	vst v22;
	v3 =	vld.idx.msk [tilespmem:v3+s17+$0x0], $0xffff  }
0x1ff: {  	v18 =	vld.idx.msk [tilespmem:v18+s17+$0x0], $0xffff;
	[tilespmem:s2+$0x30] =	vst v24  }
0x200: {  	v20 =	vld.idx.msk [tilespmem:v20+s17+$0x0], $0xffff;
	[tilespmem:s2+$0x40] =	vst v26  }
0x201: {  	v19 =	vld.idx.msk [tilespmem:v19+s17+$0x0], $0xffff;
	[tilespmem:s2+$0x50] =	vst v23  }
0x202: {  	v21 =	vld.idx.msk [tilespmem:v15+s17+$0x0], $0xffff;
	[tilespmem:s2+$0x60] =	vst v25  }
0x203: {  	[tilespmem:s2+$0x80] =	vst v27;
	v17 =	vld.idx.msk [tilespmem:v17+s17+$0x0], $0xffff  }
0x204: {  	v15 =	vld.idx.msk [tilespmem:v16+s17+$0x0], $0xffff;
	[tilespmem:s2+$0x1F0] =	vst v3  }
.Ltmp5:
0x205: {  	v14 =	vld.idx.msk [tilespmem:v14+s17+$0x0], $0xffff;
	[tilespmem:s2+$0x90] =	vst v18;
	(pc) =	sbr.rel @p0 .LBB2_8-.Ltmp5, $4  }
0x206: {  	v13 =	vld.idx.msk [tilespmem:v13+s17+$0x0], $0xffff;
	[tilespmem:s2+$0xA0] =	vst v20  }
0x207: {  	v16 =	vld.idx.msk [tilespmem:v10+s17+$0x0], $0xffff;
	[tilespmem:s2+$0xB0] =	vst v19  }
0x208: {  	v3 =	vld.idx.msk [tilespmem:v12+s17+$0x0], $0xffff;
	[tilespmem:s2+$0xC0] =	vst v21  }
0x209: {  	s10 =	sadd.s32 $0x80, s10;
	v10 =	vld.idx.msk [tilespmem:v11+s17+$0x0], $0xffff;
	[tilespmem:s2+$0xD0] =	vst v17  }
0x20a: {  	_ =	sdelay $0x2  }
0x20b: {  	[tilespmem:s2+$0xE0] =	vst v15  }
0x20c: {  	[tilespmem:s2+$0x100] =	vst v14;
	v8 =	vld.idx.msk [tilespmem:v8+s17+$0x0], $0xffff  }
0x20d: {  	[tilespmem:s2+$0x110] =	vst v13;
	v9 =	vld.idx.msk [tilespmem:v9+s17+$0x0], $0xffff  }
0x20e: {  	v7 =	vld.idx.msk [tilespmem:v7+s17+$0x0], $0xffff;
	[tilespmem:s2+$0x120] =	vst v16  }
0x20f: {  	v63 =	vld.idx.msk [tilespmem:v6+s17+$0x0], $0xffff;
	[tilespmem:s2+$0x130] =	vst v3  }
0x210: {  	v5 =	vld.idx.msk [tilespmem:v5+s17+$0x0], $0xffff;
	[tilespmem:s2+$0x140] =	vst v10  }
0x211: {  	v4 =	vld.idx.msk [tilespmem:v4+s17+$0x0], $0xffff;
	[tilespmem:s2+$0x150] =	vst v8  }
0x212: {  	v2 =	vld.idx.msk [tilespmem:v2+s17+$0x0], $0xffff;
	[tilespmem:s2+$0x160] =	vst v9  }
0x213: {  	[tilespmem:s2+$0x180] =	vst v7;
	v1 =	vld.idx.msk [tilespmem:v1+s17+$0x0], $0xffff  }
0x214: {  	[tilespmem:s3+$0x190] =	vst v63;
	v0 =	vld.idx.msk [tilespmem:v0+s17+$0x0], $0xffff  }
0x215: {  	[tilespmem:s3+$0x1A0] =	vst v5  }
0x216: {  	s0 =	sshll.u32 s0, $0xB;
	[tilespmem:s3+$0x1B0] =	vst v4  }
0x217: {  	p0 =	sgt.u32 s30, $0x8;
	s31 =	sadd.s32 s6, s0;
	[tilespmem:s3+$0x1C0] =	vst v2  }
0x218: {  	s0 =	sadd.s32 @!p0 s0, s11;
	s2 =	sshrl.u32 s31, $0x3;
	[tilespmem:s3+$0x1D0] =	vst v1  }
0x219: {  	s30 =	sadd.s32 $0x1, s30;
	s0 =	sshrl.u32 @!p0 s0, $0x3;
	s2 =	sadd.s32 s5, s2;
	[tilespmem:s3+$0x1E0] =	vst v0  }
0x21a: {  	[hbm4b:s2+s7] =	stream.linear.scatter [tilespmem:s28], [sflag:$0x6], $0x4000, $0x38;
	[tilespmem:$0x18800] =	vst v63  }
0x21b: {  	s0 =	sadd.s32 @!p0 s1, s0;
	s3 =	simm.s32 @!p0 $0x8800;
	s2 =	simm.s32 @!p0 $0x0  }
0x21c: {  	[tilespmem:s3], [sflag:$0x3] =	stream.linear.gather @!p0 [hbm4b:s0+s2], $0x4000, $0x38;
	[tilespmem:$0x18800] =	vst v63  }
0x21d: {  	p0 =	sne.s32 s30, $0xB  }
.Ltmp6:
0x21e: {  	_ = 	snop;
	(pc) =	sbr.rel @p0 .LBB2_2-.Ltmp6, $4  }
.Ltmp7:
0x21f: {  	_ = 	snop;
	(pc) =	sbr.rel @!p0 .LBB2_10-.Ltmp7, $4  }
0x220: {  	_ = 	snop  }
0x221: {  	_ = 	snop  }
0x222: {  	_ = 	snop  }
0x223: {  	_ = 	snop  }
.LBB2_11:
0x224: {  	_ =	sfence.sel $0x180000  }
0x225: {  	[bflag:$0x0] =	sbarrier.arrive $0xFFFF  }
0x226: {  	_ =	strace $0x90000047  }
0x227: {  	s0 =	stileid.u32;
	[bflag:$0x2] =	sbarrier.arrive $0xFFFF  }
0x228: {  	p0 =	sne.s32 s0, $0x0;
	s0 =	rddreg [dreg:$0x3]  }
0x229: {  	s0 =	sadd.s32 @!p0 $0x100000, s0  }
0x22a: {  	[sflag:s0] =	ssyncadd.tile.s32 @!p0 $0x1;
	_ =	shalt  }
.Lfunc_end2:
_tile_overlayer_lowered:
.L_overlay_start_2:
0x22b: {  	(tag) =	ssettag $0x2  }
0x22c: {  	s0 =	rddreg [dreg:$0x0];
	s2 =	stileid.u32  }
0x22d: {  	s1 =	rddreg [dreg:$0x1];
	p0 =	sne.s32 s2, $0x0  }
0x22e: {  	s3 =	rddreg [dreg:$0x2];
	[bflag:$0x3] =	sbarrier.arrive $0xFFFF;
	s2 =	simm.s32 @!p0 $0x1C08  }
0x22f: {  	[timem:s3], [sflag:s2] =	dma.local @!p0 [hbm:s0], s1  }
0x230: {  	s0 =	simm.s32 @!p0 $0x8  }
0x231: {  	_ =	swait.ge @!p0 [sflag:s0], s1  }
0x232: {  	s1 =	ssub.s32 @!p0 $0x0, s1;
	[sflag:s0] =	ssyncset.done @!p0 $0x0  }
0x233: {  	[sflag:s0] =	ssyncadd.s32 @!p0 s1  }
0x234: {  	[bflag:$0x3] =	sbarrier.arrive $0xFFFF  }
0x235: {  	_ =	shalt  }

</sc_bundles>
